<compile_context>
chip_gen: v7x
topology: tpu7x:2x2x1
jax: 0.10.2.dev20260603
libtpu: 0.0.44.dev20260713+nightly
codegen_flags: <defaults>
</compile_context>

<pallas_src>
import functools

import jax
import jax.numpy as jnp
from jax import lax
from jax.experimental import pallas as pl
from jax.experimental.pallas import tpu as pltpu
from jax.experimental.pallas import tpu_sc as plsc

VOCAB = 100000
EMBED_DIM = 32
BATCH = 4096
SEQ = 200

NC, NS = 2, 16
NW = NC * NS
LANES = 16
GS = 8
NG = SEQ // GS
NSLOT = 3

_MESH = plsc.VectorSubcoreMesh(
    core_axis_name="c", subcore_axis_name="s", num_cores=NC, num_subcores=NS
)


@functools.partial(
    pl.kernel,
    out_type=jax.ShapeDtypeStruct((SEQ, EMBED_DIM, BATCH), jnp.float32),
    mesh=_MESH,
    compiler_params=pltpu.CompilerParams(use_tc_tiling_on_sc=False,
                                         needs_layout_passes=False),
    scratch_types=[
        pltpu.VMEM_SHARED((NSLOT, GS, BATCH), jnp.int32),
        pltpu.VMEM((VOCAB,), jnp.float32),
        pltpu.VMEM((2, BATCH), jnp.int32),
        pltpu.VMEM((2, BATCH), jnp.int32),
        pltpu.VMEM((BATCH,), jnp.float32),
        pltpu.VMEM((BATCH,), jnp.float32),
        pltpu.SemaphoreType.DMA,
        pltpu.SemaphoreType.DMA,
        pltpu.SemaphoreType.DMA,
        pltpu.SemaphoreType.DMA,
        pltpu.SemaphoreType.DMA,
    ],
)
def _lookup_kernel(idx_hbm, table_t_hbm, out_hbm, sidx, tcol,
                   i0, i1, o0, o1,
                   hs, ls0, ls1, os0, os1):
    sid = lax.axis_index("s")
    cid = lax.axis_index("c")
    e = sid * NC + cid
    il = (i0, i1)
    outb = (o0, o1)
    lsem = (ls0, ls1)
    osem = (os0, os1)

    def idx_rows(g):
        return idx_hbm.at[pl.ds(g * GS, GS)]

    @pl.when(sid == 0)
    def _():
        pltpu.async_copy(idx_rows(0), sidx.at[0], hs)

    pltpu.sync_copy(table_t_hbm.at[e], tcol)

    @pl.when(sid == 0)
    def _():
        pltpu.make_async_copy(idx_rows(0), sidx.at[0], hs).wait()
        pltpu.async_copy(idx_rows(1), sidx.at[1], hs)

    plsc.subcore_barrier()

    pltpu.async_copy(sidx.at[0, pl.ds(0, 2)], i0, ls0)
    pltpu.async_copy(sidx.at[0, pl.ds(2, 2)], i1, ls1)

    @pl.loop(0, NG)
    def _group(g):
        @pl.when(g + 1 < NG)
        def _():
            @pl.when(sid == 0)
            def _():
                pltpu.make_async_copy(idx_rows(0), sidx.at[0], hs).wait()

        plsc.subcore_barrier()

        @pl.when(g + 2 < NG)
        def _():
            @pl.when(sid == 0)
            def _():
                pltpu.async_copy(idx_rows(g + 2),
                                 sidx.at[lax.rem(g + 2, NSLOT)], hs)

        @pl.loop(0, GS, step=4)
        def _srow(ro):
            for b in range(4):
                s = g * GS + ro + b
                p = b // 2
                r = b % 2
                ob = b % 2

                @pl.when(s >= 2)
                def _():
                    pltpu.make_async_copy(outb[ob], out_hbm.at[0, 0],
                                          osem[ob]).wait()

                if r == 0:
                    pltpu.make_async_copy(sidx.at[0, pl.ds(0, 2)],
                                          il[p], lsem[p]).wait()

                U = 16
                @pl.loop(0, BATCH // (LANES * U))
                def _grp(j):
                    base = j * (LANES * U)
                    ivs = [il[p][r, pl.ds(base + k * LANES, LANES)]
                           for k in range(U)]
                    rs = [plsc.load_gather(tcol, [iv]) for iv in ivs]
                    for k in range(U):
                        outb[ob][pl.ds(base + k * LANES, LANES)] = rs[k]

                if r == 1:
                    @pl.when(s + 4 < SEQ)
                    def _():
                        pltpu.async_copy(
                            sidx.at[lax.rem(lax.div(s + 3, GS), NSLOT),
                                    pl.ds(lax.rem(s + 3, GS), 2)],
                            il[p], lsem[p])

                pltpu.async_copy(outb[ob], out_hbm.at[s, e], osem[ob])

    for b in range(2):
        pltpu.make_async_copy(outb[b], out_hbm.at[0, 0], osem[b]).wait()


def kernel(words_seq, table):
    idx_t = words_seq.T
    table_t = table.T
    out = _lookup_kernel(idx_t, table_t)
    return out.transpose(2, 0, 1)

# --- scband reference (transcript-rebuilt; emitter-appended) ---
"""Pipeline reference for scband-char-embeddings-8366596293221 (READ-ONLY COPY).

The authoritative reference and input builder live on the scoring server;
editing this copy changes nothing except your own understanding.
"""

import jax, jax.numpy as jnp
import numpy as np

VOCAB = 100000
EMBED_DIM = 32
BATCH = 4096
SEQ = 200


def setup_inputs(seed: int = 0) -> dict:
    key = jax.random.key(seed)
    k_idx, k_tab = jax.random.split(key)
    # character/word indices; 0 is the padding index
    words_seq = jax.random.randint(k_idx, (BATCH, SEQ), 0, VOCAB, dtype=jnp.int32)
    # embedding table; padding_idx=0 row initialized to zeros (matches nn.Embedding(padding_idx=0))
    table = jax.random.normal(k_tab, (VOCAB, EMBED_DIM), dtype=jnp.float32)
    table = table.at[0].set(0.0)
    return {"words_seq": words_seq, "table": table}


def reference(words_seq, table):
    # nn.Embedding forward == row gather from the table
    char_embeds = jnp.take(table, words_seq, axis=0)
    # Dropout is identity in eval/inference mode (deterministic reference)
    return char_embeds

if __name__ == "__main__":
    import jax
    _d = setup_inputs()
    print(jax.jit(kernel)(*tuple(_d.values())))

</pallas_src>

<mosaic_0001>
#map = affine_map<(d0, d1) -> (0, 0)>
#map1 = affine_map<(d0, d1) -> (0, 0, 0)>
module attributes {stable_mosaic.version = 14 : i64} {
  func.func @_lookup_kernel(%arg0: i32, %arg1: i32, %arg2: memref<200x4096xi32, #tpu.memory_space<hbm>>, %arg3: memref<32x100000xf32, #tpu.memory_space<hbm>>, %arg4: memref<200x32x4096xf32, #tpu.memory_space<hbm>>, %arg5: memref<3x8x4096xi32, #tpu.memory_space<vmem_shared>>, %arg6: memref<100000xf32, #tpu.memory_space<vmem>>, %arg7: memref<2x4096xi32, #tpu.memory_space<vmem>>, %arg8: memref<2x4096xi32, #tpu.memory_space<vmem>>, %arg9: memref<4096xf32, #tpu.memory_space<vmem>>, %arg10: memref<4096xf32, #tpu.memory_space<vmem>>, %arg11: memref<!tpu.dma_semaphore, #tpu.memory_space<semaphore_mem>>, %arg12: memref<!tpu.dma_semaphore, #tpu.memory_space<semaphore_mem>>, %arg13: memref<!tpu.dma_semaphore, #tpu.memory_space<semaphore_mem>>, %arg14: memref<!tpu.dma_semaphore, #tpu.memory_space<semaphore_mem>>, %arg15: memref<!tpu.dma_semaphore, #tpu.memory_space<semaphore_mem>>) attributes {dimension_semantics = [#tpu.dimension_semantics<core_parallel>, #tpu.dimension_semantics<subcore_parallel>], iteration_bounds = array<i64: 2, 16>, scalar_prefetch = 0 : i64, scratch_operands = 11 : i64, tpu.core_type = #tpu.core_type<sc_vector_subcore>, window_params = [{transform_indices = #map}, {transform_indices = #map}, {transform_indices = #map1}]} {
    %mul3A = arith.constant 2 : i32
    %mul3A_0 = arith.muli %arg1, %mul3A : i32
    %add3A = arith.addi %mul3A_0, %arg0 : i32
    %eq3A = arith.constant 0 : i32
    %eq3A_1 = arith.cmpi eq, %arg1, %eq3A : i32
    %convert_element_type3A = arith.extui %eq3A_1 : i1 to i32
    %cond3A = arith.constant 0 : i32
    %cond3A_2 = arith.cmpi ne, %convert_element_type3A, %cond3A : i32
    scf.if %cond3A_2 {
      %dma_start3A_44 = arith.constant 0 : i32
      %dma_start3A_45 = arith.constant 0 : i32
      %dma_start3A_46 = arith.constant 0 : i32
      %dma_start3A_47 = tpu.memref_slice %arg5[%dma_start3A_44, %dma_start3A_45, %dma_start3A_46] : memref<3x8x4096xi32, #tpu.memory_space<vmem_shared>> -> memref<1x8x4096xi32, #tpu.memory_space<vmem_shared>>
      %dma_start3A_48 = tpu.memref_squeeze %dma_start3A_47 : memref<1x8x4096xi32, #tpu.memory_space<vmem_shared>> -> memref<8x4096xi32, #tpu.memory_space<vmem_shared>>
      %dma_start3A_49 = arith.constant 0 : i32
      %dma_start3A_50 = arith.constant 0 : i32
      %dma_start3A_51 = tpu.memref_slice %arg2[%dma_start3A_49, %dma_start3A_50] : memref<200x4096xi32, #tpu.memory_space<hbm>> -> memref<8x4096xi32, #tpu.memory_space<hbm>>
      tpu.enqueue_dma source(%dma_start3A_51 : memref<8x4096xi32, #tpu.memory_space<hbm>>) target(%dma_start3A_48 : memref<8x4096xi32, #tpu.memory_space<vmem_shared>>) target_semaphore(%arg11 : memref<!tpu.dma_semaphore, #tpu.memory_space<semaphore_mem>>)
    } else {
    }
    "tpu.region"() ({
      %run_scoped3A = tpu.sem_alloc : memref<!tpu.dma_semaphore, #tpu.memory_space<semaphore_mem>>
      %dma_start3A_44 = arith.constant 0 : i32
      %dma_start3A_45 = tpu.memref_slice %arg3[%add3A, %dma_start3A_44] : memref<32x100000xf32, #tpu.memory_space<hbm>> -> memref<1x100000xf32, #tpu.memory_space<hbm>>
      %dma_start3A_46 = tpu.memref_squeeze %dma_start3A_45 : memref<1x100000xf32, #tpu.memory_space<hbm>> -> memref<100000xf32, #tpu.memory_space<hbm>>
      %dma_start3A_47 = arith.constant 0 : i32
      %dma_start3A_48 = tpu.memref_slice %arg3[%add3A, %dma_start3A_47] : memref<32x100000xf32, #tpu.memory_space<hbm>> -> memref<1x100000xf32, #tpu.memory_space<hbm>>
      %dma_start3A_49 = tpu.memref_squeeze %dma_start3A_48 : memref<1x100000xf32, #tpu.memory_space<hbm>> -> memref<100000xf32, #tpu.memory_space<hbm>>
      tpu.enqueue_dma source(%dma_start3A_49 : memref<100000xf32, #tpu.memory_space<hbm>>) target(%arg6 : memref<100000xf32, #tpu.memory_space<vmem>>) target_semaphore(%run_scoped3A : memref<!tpu.dma_semaphore, #tpu.memory_space<semaphore_mem>>)
      %dma_wait3A_50 = arith.constant 0 : i32
      %dma_wait3A_51 = tpu.memref_slice %arg3[%add3A, %dma_wait3A_50] : memref<32x100000xf32, #tpu.memory_space<hbm>> -> memref<1x100000xf32, #tpu.memory_space<hbm>>
      %dma_wait3A_52 = tpu.memref_squeeze %dma_wait3A_51 : memref<1x100000xf32, #tpu.memory_space<hbm>> -> memref<100000xf32, #tpu.memory_space<hbm>>
      %dma_wait3A_53 = arith.constant 0 : i32
      %dma_wait3A_54 = tpu.memref_slice %arg3[%add3A, %dma_wait3A_53] : memref<32x100000xf32, #tpu.memory_space<hbm>> -> memref<1x100000xf32, #tpu.memory_space<hbm>>
      %dma_wait3A_55 = tpu.memref_squeeze %dma_wait3A_54 : memref<1x100000xf32, #tpu.memory_space<hbm>> -> memref<100000xf32, #tpu.memory_space<hbm>>
      tpu.wait_dma2 semaphore(%run_scoped3A : memref<!tpu.dma_semaphore, #tpu.memory_space<semaphore_mem>>) src(%dma_wait3A_55 : memref<100000xf32, #tpu.memory_space<hbm>>) dst(%arg6 : memref<100000xf32, #tpu.memory_space<vmem>>)
      tpu.yield
    }) : () -> ()
    %eq3A_3 = arith.constant 0 : i32
    %eq3A_4 = arith.cmpi eq, %arg1, %eq3A_3 : i32
    %convert_element_type3A_5 = arith.extui %eq3A_4 : i1 to i32
    %cond3A_6 = arith.constant 0 : i32
    %cond3A_7 = arith.cmpi ne, %convert_element_type3A_5, %cond3A_6 : i32
    scf.if %cond3A_7 {
      %dma_wait3A_44 = arith.constant 0 : i32
      %dma_wait3A_45 = arith.constant 0 : i32
      %dma_wait3A_46 = arith.constant 0 : i32
      %dma_wait3A_47 = tpu.memref_slice %arg5[%dma_wait3A_44, %dma_wait3A_45, %dma_wait3A_46] : memref<3x8x4096xi32, #tpu.memory_space<vmem_shared>> -> memref<1x8x4096xi32, #tpu.memory_space<vmem_shared>>
      %dma_wait3A_48 = tpu.memref_squeeze %dma_wait3A_47 : memref<1x8x4096xi32, #tpu.memory_space<vmem_shared>> -> memref<8x4096xi32, #tpu.memory_space<vmem_shared>>
      %dma_wait3A_49 = arith.constant 0 : i32
      %dma_wait3A_50 = arith.constant 0 : i32
      %dma_wait3A_51 = tpu.memref_slice %arg2[%dma_wait3A_49, %dma_wait3A_50] : memref<200x4096xi32, #tpu.memory_space<hbm>> -> memref<8x4096xi32, #tpu.memory_space<hbm>>
      tpu.wait_dma2 semaphore(%arg11 : memref<!tpu.dma_semaphore, #tpu.memory_space<semaphore_mem>>) src(%dma_wait3A_51 : memref<8x4096xi32, #tpu.memory_space<hbm>>) dst(%dma_wait3A_48 : memref<8x4096xi32, #tpu.memory_space<vmem_shared>>)
      %dma_start3A_52 = arith.constant 1 : i32
      %dma_start3A_53 = arith.constant 0 : i32
      %dma_start3A_54 = arith.constant 0 : i32
      %dma_start3A_55 = tpu.memref_slice %arg5[%dma_start3A_52, %dma_start3A_53, %dma_start3A_54] : memref<3x8x4096xi32, #tpu.memory_space<vmem_shared>> -> memref<1x8x4096xi32, #tpu.memory_space<vmem_shared>>
      %dma_start3A_56 = tpu.memref_squeeze %dma_start3A_55 : memref<1x8x4096xi32, #tpu.memory_space<vmem_shared>> -> memref<8x4096xi32, #tpu.memory_space<vmem_shared>>
      %dma_start3A_57 = arith.constant 8 : i32
      %dma_start3A_58 = arith.constant 0 : i32
      %dma_start3A_59 = tpu.memref_slice %arg2[%dma_start3A_57, %dma_start3A_58] : memref<200x4096xi32, #tpu.memory_space<hbm>> -> memref<8x4096xi32, #tpu.memory_space<hbm>>
      tpu.enqueue_dma source(%dma_start3A_59 : memref<8x4096xi32, #tpu.memory_space<hbm>>) target(%dma_start3A_56 : memref<8x4096xi32, #tpu.memory_space<vmem_shared>>) target_semaphore(%arg11 : memref<!tpu.dma_semaphore, #tpu.memory_space<semaphore_mem>>)
    } else {
    }
    %barrier3A = arith.constant 0 : index
    tpu.barrier barrier_id(%barrier3A)
    %dma_start3A = arith.constant 0 : i32
    %dma_start3A_8 = arith.constant 0 : i32
    %dma_start3A_9 = arith.constant 0 : i32
    %dma_start3A_10 = tpu.memref_slice %arg5[%dma_start3A, %dma_start3A_8, %dma_start3A_9] : memref<3x8x4096xi32, #tpu.memory_space<vmem_shared>> -> memref<1x2x4096xi32, #tpu.memory_space<vmem_shared>>
    %dma_start3A_11 = tpu.memref_squeeze %dma_start3A_10 : memref<1x2x4096xi32, #tpu.memory_space<vmem_shared>> -> memref<2x4096xi32, #tpu.memory_space<vmem_shared>>
    %dma_start3A_12 = arith.constant 0 : i32
    %dma_start3A_13 = arith.constant 0 : i32
    %dma_start3A_14 = tpu.memref_slice %arg5[%dma_start3A, %dma_start3A_12, %dma_start3A_13] : memref<3x8x4096xi32, #tpu.memory_space<vmem_shared>> -> memref<1x2x4096xi32, #tpu.memory_space<vmem_shared>>
    %dma_start3A_15 = tpu.memref_squeeze %dma_start3A_14 : memref<1x2x4096xi32, #tpu.memory_space<vmem_shared>> -> memref<2x4096xi32, #tpu.memory_space<vmem_shared>>
    tpu.enqueue_dma source(%dma_start3A_15 : memref<2x4096xi32, #tpu.memory_space<vmem_shared>>) target(%arg7 : memref<2x4096xi32, #tpu.memory_space<vmem>>) target_semaphore(%arg12 : memref<!tpu.dma_semaphore, #tpu.memory_space<semaphore_mem>>)
    %dma_start3A_16 = arith.constant 0 : i32
    %dma_start3A_17 = arith.constant 2 : i32
    %dma_start3A_18 = arith.constant 0 : i32
    %dma_start3A_19 = tpu.memref_slice %arg5[%dma_start3A_16, %dma_start3A_17, %dma_start3A_18] : memref<3x8x4096xi32, #tpu.memory_space<vmem_shared>> -> memref<1x2x4096xi32, #tpu.memory_space<vmem_shared>>
    %dma_start3A_20 = tpu.memref_squeeze %dma_start3A_19 : memref<1x2x4096xi32, #tpu.memory_space<vmem_shared>> -> memref<2x4096xi32, #tpu.memory_space<vmem_shared>>
    %dma_start3A_21 = arith.constant 2 : i32
    %dma_start3A_22 = arith.constant 0 : i32
    %dma_start3A_23 = tpu.memref_slice %arg5[%dma_start3A_16, %dma_start3A_21, %dma_start3A_22] : memref<3x8x4096xi32, #tpu.memory_space<vmem_shared>> -> memref<1x2x4096xi32, #tpu.memory_space<vmem_shared>>
    %dma_start3A_24 = tpu.memref_squeeze %dma_start3A_23 : memref<1x2x4096xi32, #tpu.memory_space<vmem_shared>> -> memref<2x4096xi32, #tpu.memory_space<vmem_shared>>
    tpu.enqueue_dma source(%dma_start3A_24 : memref<2x4096xi32, #tpu.memory_space<vmem_shared>>) target(%arg8 : memref<2x4096xi32, #tpu.memory_space<vmem>>) target_semaphore(%arg13 : memref<!tpu.dma_semaphore, #tpu.memory_space<semaphore_mem>>)
    %scan3A = arith.constant 0 : i32
    %scan3A_25 = arith.constant 25 : i32
    %scan3A_26 = arith.addi %scan3A, %scan3A_25 : i32
    %scan3A_27 = arith.constant 1 : i32
    scf.for %scan3A_44 = %scan3A to %scan3A_26 step %scan3A_27  : i32 {
      %mul3A_45 = arith.constant 1 : i32
      %mul3A_46 = arith.muli %scan3A_44, %mul3A_45 : i32
      %add3A_47 = arith.constant 0 : i32
      %add3A_48 = arith.addi %add3A_47, %mul3A_46 : i32
      %add3A_49 = arith.constant 1 : i32
      %add3A_50 = arith.addi %add3A_48, %add3A_49 : i32
      %lt3A = arith.constant 25 : i32
      %lt3A_51 = arith.cmpi slt, %add3A_50, %lt3A : i32
      %convert_element_type3A_52 = arith.extui %lt3A_51 : i1 to i32
      %cond3A_53 = arith.constant 0 : i32
      %cond3A_54 = arith.cmpi ne, %convert_element_type3A_52, %cond3A_53 : i32
      scf.if %cond3A_54 {
        %eq3A_68 = arith.constant 0 : i32
        %eq3A_69 = arith.cmpi eq, %arg1, %eq3A_68 : i32
        %convert_element_type3A_70 = arith.extui %eq3A_69 : i1 to i32
        %cond3A_71 = arith.constant 0 : i32
        %cond3A_72 = arith.cmpi ne, %convert_element_type3A_70, %cond3A_71 : i32
        scf.if %cond3A_72 {
          %dma_wait3A_73 = arith.constant 0 : i32
          %dma_wait3A_74 = arith.constant 0 : i32
          %dma_wait3A_75 = arith.constant 0 : i32
          %dma_wait3A_76 = tpu.memref_slice %arg5[%dma_wait3A_73, %dma_wait3A_74, %dma_wait3A_75] : memref<3x8x4096xi32, #tpu.memory_space<vmem_shared>> -> memref<1x8x4096xi32, #tpu.memory_space<vmem_shared>>
          %dma_wait3A_77 = tpu.memref_squeeze %dma_wait3A_76 : memref<1x8x4096xi32, #tpu.memory_space<vmem_shared>> -> memref<8x4096xi32, #tpu.memory_space<vmem_shared>>
          %dma_wait3A_78 = arith.constant 0 : i32
          %dma_wait3A_79 = arith.constant 0 : i32
          %dma_wait3A_80 = tpu.memref_slice %arg2[%dma_wait3A_78, %dma_wait3A_79] : memref<200x4096xi32, #tpu.memory_space<hbm>> -> memref<8x4096xi32, #tpu.memory_space<hbm>>
          tpu.wait_dma2 semaphore(%arg11 : memref<!tpu.dma_semaphore, #tpu.memory_space<semaphore_mem>>) src(%dma_wait3A_80 : memref<8x4096xi32, #tpu.memory_space<hbm>>) dst(%dma_wait3A_77 : memref<8x4096xi32, #tpu.memory_space<vmem_shared>>)
        } else {
        }
      } else {
      }
      %barrier3A_55 = arith.constant 0 : index
      tpu.barrier barrier_id(%barrier3A_55)
      %add3A_56 = arith.constant 2 : i32
      %add3A_57 = arith.addi %add3A_48, %add3A_56 : i32
      %lt3A_58 = arith.constant 25 : i32
      %lt3A_59 = arith.cmpi slt, %add3A_57, %lt3A_58 : i32
      %convert_element_type3A_60 = arith.extui %lt3A_59 : i1 to i32
      %cond3A_61 = arith.constant 0 : i32
      %cond3A_62 = arith.cmpi ne, %convert_element_type3A_60, %cond3A_61 : i32
      scf.if %cond3A_62 {
        %eq3A_68 = arith.constant 0 : i32
        %eq3A_69 = arith.cmpi eq, %arg1, %eq3A_68 : i32
        %convert_element_type3A_70 = arith.extui %eq3A_69 : i1 to i32
        %cond3A_71 = arith.constant 0 : i32
        %cond3A_72 = arith.cmpi ne, %convert_element_type3A_70, %cond3A_71 : i32
        scf.if %cond3A_72 {
          %add3A_73 = arith.constant 2 : i32
          %add3A_74 = arith.addi %add3A_48, %add3A_73 : i32
          %mul3A_75 = arith.constant 8 : i32
          %mul3A_76 = arith.muli %add3A_74, %mul3A_75 : i32
          %add3A_77 = arith.constant 2 : i32
          %add3A_78 = arith.addi %add3A_48, %add3A_77 : i32
          %rem3A = arith.constant 3 : i32
          %rem3A_79 = arith.remsi %add3A_78, %rem3A : i32
          %dma_start3A_80 = arith.constant 0 : i32
          %dma_start3A_81 = arith.constant 0 : i32
          %dma_start3A_82 = tpu.memref_slice %arg5[%rem3A_79, %dma_start3A_80, %dma_start3A_81] : memref<3x8x4096xi32, #tpu.memory_space<vmem_shared>> -> memref<1x8x4096xi32, #tpu.memory_space<vmem_shared>>
          %dma_start3A_83 = tpu.memref_squeeze %dma_start3A_82 : memref<1x8x4096xi32, #tpu.memory_space<vmem_shared>> -> memref<8x4096xi32, #tpu.memory_space<vmem_shared>>
          %dma_start3A_84 = arith.constant 0 : i32
          %dma_start3A_85 = tpu.memref_slice %arg2[%mul3A_76, %dma_start3A_84] : memref<200x4096xi32, #tpu.memory_space<hbm>> -> memref<8x4096xi32, #tpu.memory_space<hbm>>
          tpu.enqueue_dma source(%dma_start3A_85 : memref<8x4096xi32, #tpu.memory_space<hbm>>) target(%dma_start3A_83 : memref<8x4096xi32, #tpu.memory_space<vmem_shared>>) target_semaphore(%arg11 : memref<!tpu.dma_semaphore, #tpu.memory_space<semaphore_mem>>)
        } else {
        }
      } else {
      }
      %scan3A_63 = arith.constant 0 : i32
      %scan3A_64 = arith.constant 2 : i32
      %scan3A_65 = arith.addi %scan3A_63, %scan3A_64 : i32
      %scan3A_66 = arith.constant 1 : i32
      scf.for %scan3A_68 = %scan3A_63 to %scan3A_65 step %scan3A_66  : i32 {
        %mul3A_69 = arith.constant 4 : i32
        %mul3A_70 = arith.muli %scan3A_68, %mul3A_69 : i32
        %add3A_71 = arith.constant 0 : i32
        %add3A_72 = arith.addi %add3A_71, %mul3A_70 : i32
        %mul3A_73 = arith.constant 8 : i32
        %mul3A_74 = arith.muli %add3A_48, %mul3A_73 : i32
        %add3A_75 = arith.addi %mul3A_74, %add3A_72 : i32
        %add3A_76 = arith.constant 0 : i32
        %add3A_77 = arith.addi %add3A_75, %add3A_76 : i32
        %ge3A = arith.constant 2 : i32
        %ge3A_78 = arith.cmpi sge, %add3A_77, %ge3A : i32
        %convert_element_type3A_79 = arith.extui %ge3A_78 : i1 to i32
        %cond3A_80 = arith.constant 0 : i32
        %cond3A_81 = arith.cmpi ne, %convert_element_type3A_79, %cond3A_80 : i32
        scf.if %cond3A_81 {
          %dma_wait3A_188 = arith.constant 0 : i32
          %dma_wait3A_189 = arith.constant 0 : i32
          %dma_wait3A_190 = arith.constant 0 : i32
          %dma_wait3A_191 = tpu.memref_slice %arg4[%dma_wait3A_188, %dma_wait3A_189, %dma_wait3A_190] : memref<200x32x4096xf32, #tpu.memory_space<hbm>> -> memref<1x1x4096xf32, #tpu.memory_space<hbm>>
          %dma_wait3A_192 = tpu.memref_squeeze %dma_wait3A_191 : memref<1x1x4096xf32, #tpu.memory_space<hbm>> -> memref<4096xf32, #tpu.memory_space<hbm>>
          %dma_wait3A_193 = arith.constant 0 : i32
          %dma_wait3A_194 = tpu.memref_slice %arg4[%dma_wait3A_188, %dma_wait3A_189, %dma_wait3A_193] : memref<200x32x4096xf32, #tpu.memory_space<hbm>> -> memref<1x1x4096xf32, #tpu.memory_space<hbm>>
          %dma_wait3A_195 = tpu.memref_squeeze %dma_wait3A_194 : memref<1x1x4096xf32, #tpu.memory_space<hbm>> -> memref<4096xf32, #tpu.memory_space<hbm>>
          tpu.wait_dma2 semaphore(%arg14 : memref<!tpu.dma_semaphore, #tpu.memory_space<semaphore_mem>>) src(%arg9 : memref<4096xf32, #tpu.memory_space<vmem>>) dst(%dma_wait3A_195 : memref<4096xf32, #tpu.memory_space<hbm>>)
        } else {
        }
        %dma_wait3A_82 = arith.constant 0 : i32
        %dma_wait3A_83 = arith.constant 0 : i32
        %dma_wait3A_84 = arith.constant 0 : i32
        %dma_wait3A_85 = tpu.memref_slice %arg5[%dma_wait3A_82, %dma_wait3A_83, %dma_wait3A_84] : memref<3x8x4096xi32, #tpu.memory_space<vmem_shared>> -> memref<1x2x4096xi32, #tpu.memory_space<vmem_shared>>
        %dma_wait3A_86 = tpu.memref_squeeze %dma_wait3A_85 : memref<1x2x4096xi32, #tpu.memory_space<vmem_shared>> -> memref<2x4096xi32, #tpu.memory_space<vmem_shared>>
        %dma_wait3A_87 = arith.constant 0 : i32
        %dma_wait3A_88 = arith.constant 0 : i32
        %dma_wait3A_89 = tpu.memref_slice %arg5[%dma_wait3A_82, %dma_wait3A_87, %dma_wait3A_88] : memref<3x8x4096xi32, #tpu.memory_space<vmem_shared>> -> memref<1x2x4096xi32, #tpu.memory_space<vmem_shared>>
        %dma_wait3A_90 = tpu.memref_squeeze %dma_wait3A_89 : memref<1x2x4096xi32, #tpu.memory_space<vmem_shared>> -> memref<2x4096xi32, #tpu.memory_space<vmem_shared>>
        tpu.wait_dma2 semaphore(%arg12 : memref<!tpu.dma_semaphore, #tpu.memory_space<semaphore_mem>>) src(%dma_wait3A_90 : memref<2x4096xi32, #tpu.memory_space<vmem_shared>>) dst(%arg7 : memref<2x4096xi32, #tpu.memory_space<vmem>>)
        %scan3A_91 = arith.constant 0 : i32
        %scan3A_92 = arith.constant 16 : i32
        %scan3A_93 = arith.addi %scan3A_91, %scan3A_92 : i32
        %scan3A_94 = arith.constant 1 : i32
        scf.for %scan3A_188 = %scan3A_91 to %scan3A_93 step %scan3A_94  : i32 {
          %mul3A_189 = arith.constant 1 : i32
          %mul3A_190 = arith.muli %scan3A_188, %mul3A_189 : i32
          %add3A_191 = arith.constant 0 : i32
          %add3A_192 = arith.addi %add3A_191, %mul3A_190 : i32
          %mul3A_193 = arith.constant 256 : i32
          %mul3A_194 = arith.muli %add3A_192, %mul3A_193 : i32
          %add3A_195 = arith.constant 0 : i32
          %add3A_196 = arith.addi %mul3A_194, %add3A_195 : i32
          %get3A = arith.constant 0 : i32
          %get3A_197 = arith.index_cast %get3A : i32 to index
          %get3A_198 = arith.index_cast %add3A_196 : i32 to index
          %get3A_199 = tpu.vector_load %arg7[%get3A_197, %get3A_198] {strides = array<i32>} : memref<2x4096xi32, #tpu.memory_space<vmem>>, vector<16xi32>,
          %add3A_200 = arith.constant 16 : i32
          %add3A_201 = arith.addi %mul3A_194, %add3A_200 : i32
          %get3A_202 = arith.constant 0 : i32
          %get3A_203 = arith.index_cast %get3A_202 : i32 to index
          %get3A_204 = arith.index_cast %add3A_201 : i32 to index
          %get3A_205 = tpu.vector_load %arg7[%get3A_203, %get3A_204] {strides = array<i32>} : memref<2x4096xi32, #tpu.memory_space<vmem>>, vector<16xi32>,
          %add3A_206 = arith.constant 32 : i32
          %add3A_207 = arith.addi %mul3A_194, %add3A_206 : i32
          %get3A_208 = arith.constant 0 : i32
          %get3A_209 = arith.index_cast %get3A_208 : i32 to index
          %get3A_210 = arith.index_cast %add3A_207 : i32 to index
          %get3A_211 = tpu.vector_load %arg7[%get3A_209, %get3A_210] {strides = array<i32>} : memref<2x4096xi32, #tpu.memory_space<vmem>>, vector<16xi32>,
          %add3A_212 = arith.constant 48 : i32
          %add3A_213 = arith.addi %mul3A_194, %add3A_212 : i32
          %get3A_214 = arith.constant 0 : i32
          %get3A_215 = arith.index_cast %get3A_214 : i32 to index
          %get3A_216 = arith.index_cast %add3A_213 : i32 to index
          %get3A_217 = tpu.vector_load %arg7[%get3A_215, %get3A_216] {strides = array<i32>} : memref<2x4096xi32, #tpu.memory_space<vmem>>, vector<16xi32>,
          %add3A_218 = arith.constant 64 : i32
          %add3A_219 = arith.addi %mul3A_194, %add3A_218 : i32
          %get3A_220 = arith.constant 0 : i32
          %get3A_221 = arith.index_cast %get3A_220 : i32 to index
          %get3A_222 = arith.index_cast %add3A_219 : i32 to index
          %get3A_223 = tpu.vector_load %arg7[%get3A_221, %get3A_222] {strides = array<i32>} : memref<2x4096xi32, #tpu.memory_space<vmem>>, vector<16xi32>,
          %add3A_224 = arith.constant 80 : i32
          %add3A_225 = arith.addi %mul3A_194, %add3A_224 : i32
          %get3A_226 = arith.constant 0 : i32
          %get3A_227 = arith.index_cast %get3A_226 : i32 to index
          %get3A_228 = arith.index_cast %add3A_225 : i32 to index
          %get3A_229 = tpu.vector_load %arg7[%get3A_227, %get3A_228] {strides = array<i32>} : memref<2x4096xi32, #tpu.memory_space<vmem>>, vector<16xi32>,
          %add3A_230 = arith.constant 96 : i32
          %add3A_231 = arith.addi %mul3A_194, %add3A_230 : i32
          %get3A_232 = arith.constant 0 : i32
          %get3A_233 = arith.index_cast %get3A_232 : i32 to index
          %get3A_234 = arith.index_cast %add3A_231 : i32 to index
          %get3A_235 = tpu.vector_load %arg7[%get3A_233, %get3A_234] {strides = array<i32>} : memref<2x4096xi32, #tpu.memory_space<vmem>>, vector<16xi32>,
          %add3A_236 = arith.constant 112 : i32
          %add3A_237 = arith.addi %mul3A_194, %add3A_236 : i32
          %get3A_238 = arith.constant 0 : i32
          %get3A_239 = arith.index_cast %get3A_238 : i32 to index
          %get3A_240 = arith.index_cast %add3A_237 : i32 to index
          %get3A_241 = tpu.vector_load %arg7[%get3A_239, %get3A_240] {strides = array<i32>} : memref<2x4096xi32, #tpu.memory_space<vmem>>, vector<16xi32>,
          %add3A_242 = arith.constant 128 : i32
          %add3A_243 = arith.addi %mul3A_194, %add3A_242 : i32
          %get3A_244 = arith.constant 0 : i32
          %get3A_245 = arith.index_cast %get3A_244 : i32 to index
          %get3A_246 = arith.index_cast %add3A_243 : i32 to index
          %get3A_247 = tpu.vector_load %arg7[%get3A_245, %get3A_246] {strides = array<i32>} : memref<2x4096xi32, #tpu.memory_space<vmem>>, vector<16xi32>,
          %add3A_248 = arith.constant 144 : i32
          %add3A_249 = arith.addi %mul3A_194, %add3A_248 : i32
          %get3A_250 = arith.constant 0 : i32
          %get3A_251 = arith.index_cast %get3A_250 : i32 to index
          %get3A_252 = arith.index_cast %add3A_249 : i32 to index
          %get3A_253 = tpu.vector_load %arg7[%get3A_251, %get3A_252] {strides = array<i32>} : memref<2x4096xi32, #tpu.memory_space<vmem>>, vector<16xi32>,
          %add3A_254 = arith.constant 160 : i32
          %add3A_255 = arith.addi %mul3A_194, %add3A_254 : i32
          %get3A_256 = arith.constant 0 : i32
          %get3A_257 = arith.index_cast %get3A_256 : i32 to index
          %get3A_258 = arith.index_cast %add3A_255 : i32 to index
          %get3A_259 = tpu.vector_load %arg7[%get3A_257, %get3A_258] {strides = array<i32>} : memref<2x4096xi32, #tpu.memory_space<vmem>>, vector<16xi32>,
          %add3A_260 = arith.constant 176 : i32
          %add3A_261 = arith.addi %mul3A_194, %add3A_260 : i32
          %get3A_262 = arith.constant 0 : i32
          %get3A_263 = arith.index_cast %get3A_262 : i32 to index
          %get3A_264 = arith.index_cast %add3A_261 : i32 to index
          %get3A_265 = tpu.vector_load %arg7[%get3A_263, %get3A_264] {strides = array<i32>} : memref<2x4096xi32, #tpu.memory_space<vmem>>, vector<16xi32>,
          %add3A_266 = arith.constant 192 : i32
          %add3A_267 = arith.addi %mul3A_194, %add3A_266 : i32
          %get3A_268 = arith.constant 0 : i32
          %get3A_269 = arith.index_cast %get3A_268 : i32 to index
          %get3A_270 = arith.index_cast %add3A_267 : i32 to index
          %get3A_271 = tpu.vector_load %arg7[%get3A_269, %get3A_270] {strides = array<i32>} : memref<2x4096xi32, #tpu.memory_space<vmem>>, vector<16xi32>,
          %add3A_272 = arith.constant 208 : i32
          %add3A_273 = arith.addi %mul3A_194, %add3A_272 : i32
          %get3A_274 = arith.constant 0 : i32
          %get3A_275 = arith.index_cast %get3A_274 : i32 to index
          %get3A_276 = arith.index_cast %add3A_273 : i32 to index
          %get3A_277 = tpu.vector_load %arg7[%get3A_275, %get3A_276] {strides = array<i32>} : memref<2x4096xi32, #tpu.memory_space<vmem>>, vector<16xi32>,
          %add3A_278 = arith.constant 224 : i32
          %add3A_279 = arith.addi %mul3A_194, %add3A_278 : i32
          %get3A_280 = arith.constant 0 : i32
          %get3A_281 = arith.index_cast %get3A_280 : i32 to index
          %get3A_282 = arith.index_cast %add3A_279 : i32 to index
          %get3A_283 = tpu.vector_load %arg7[%get3A_281, %get3A_282] {strides = array<i32>} : memref<2x4096xi32, #tpu.memory_space<vmem>>, vector<16xi32>,
          %add3A_284 = arith.constant 240 : i32
          %add3A_285 = arith.addi %mul3A_194, %add3A_284 : i32
          %get3A_286 = arith.constant 0 : i32
          %get3A_287 = arith.index_cast %get3A_286 : i32 to index
          %get3A_288 = arith.index_cast %add3A_285 : i32 to index
          %get3A_289 = tpu.vector_load %arg7[%get3A_287, %get3A_288] {strides = array<i32>} : memref<2x4096xi32, #tpu.memory_space<vmem>>, vector<16xi32>,
          %gather3A = tpu.vector_load_idx %arg6[%get3A_199] : memref<100000xf32, #tpu.memory_space<vmem>>[vector<16xi32>], vector<16xf32>,
          %gather3A_290 = tpu.vector_load_idx %arg6[%get3A_205] : memref<100000xf32, #tpu.memory_space<vmem>>[vector<16xi32>], vector<16xf32>,
          %gather3A_291 = tpu.vector_load_idx %arg6[%get3A_211] : memref<100000xf32, #tpu.memory_space<vmem>>[vector<16xi32>], vector<16xf32>,
          %gather3A_292 = tpu.vector_load_idx %arg6[%get3A_217] : memref<100000xf32, #tpu.memory_space<vmem>>[vector<16xi32>], vector<16xf32>,
          %gather3A_293 = tpu.vector_load_idx %arg6[%get3A_223] : memref<100000xf32, #tpu.memory_space<vmem>>[vector<16xi32>], vector<16xf32>,
          %gather3A_294 = tpu.vector_load_idx %arg6[%get3A_229] : memref<100000xf32, #tpu.memory_space<vmem>>[vector<16xi32>], vector<16xf32>,
          %gather3A_295 = tpu.vector_load_idx %arg6[%get3A_235] : memref<100000xf32, #tpu.memory_space<vmem>>[vector<16xi32>], vector<16xf32>,
          %gather3A_296 = tpu.vector_load_idx %arg6[%get3A_241] : memref<100000xf32, #tpu.memory_space<vmem>>[vector<16xi32>], vector<16xf32>,
          %gather3A_297 = tpu.vector_load_idx %arg6[%get3A_247] : memref<100000xf32, #tpu.memory_space<vmem>>[vector<16xi32>], vector<16xf32>,
          %gather3A_298 = tpu.vector_load_idx %arg6[%get3A_253] : memref<100000xf32, #tpu.memory_space<vmem>>[vector<16xi32>], vector<16xf32>,
          %gather3A_299 = tpu.vector_load_idx %arg6[%get3A_259] : memref<100000xf32, #tpu.memory_space<vmem>>[vector<16xi32>], vector<16xf32>,
          %gather3A_300 = tpu.vector_load_idx %arg6[%get3A_265] : memref<100000xf32, #tpu.memory_space<vmem>>[vector<16xi32>], vector<16xf32>,
          %gather3A_301 = tpu.vector_load_idx %arg6[%get3A_271] : memref<100000xf32, #tpu.memory_space<vmem>>[vector<16xi32>], vector<16xf32>,
          %gather3A_302 = tpu.vector_load_idx %arg6[%get3A_277] : memref<100000xf32, #tpu.memory_space<vmem>>[vector<16xi32>], vector<16xf32>,
          %gather3A_303 = tpu.vector_load_idx %arg6[%get3A_283] : memref<100000xf32, #tpu.memory_space<vmem>>[vector<16xi32>], vector<16xf32>,
          %gather3A_304 = tpu.vector_load_idx %arg6[%get3A_289] : memref<100000xf32, #tpu.memory_space<vmem>>[vector<16xi32>], vector<16xf32>,
          %add3A_305 = arith.constant 0 : i32
          %add3A_306 = arith.addi %mul3A_194, %add3A_305 : i32
          %swap3A = arith.index_cast %add3A_306 : i32 to index
          %swap3A_307 = tpu.vector_load %arg9[%swap3A] {strides = array<i32>} : memref<4096xf32, #tpu.memory_space<vmem>>, vector<16xf32>,
          tpu.vector_store %arg9[%swap3A], %gather3A {strides = array<i32>} : memref<4096xf32, #tpu.memory_space<vmem>>, vector<16xf32>,
          %add3A_308 = arith.constant 16 : i32
          %add3A_309 = arith.addi %mul3A_194, %add3A_308 : i32
          %swap3A_310 = arith.index_cast %add3A_309 : i32 to index
          %swap3A_311 = tpu.vector_load %arg9[%swap3A_310] {strides = array<i32>} : memref<4096xf32, #tpu.memory_space<vmem>>, vector<16xf32>,
          tpu.vector_store %arg9[%swap3A_310], %gather3A_290 {strides = array<i32>} : memref<4096xf32, #tpu.memory_space<vmem>>, vector<16xf32>,
          %add3A_312 = arith.constant 32 : i32
          %add3A_313 = arith.addi %mul3A_194, %add3A_312 : i32
          %swap3A_314 = arith.index_cast %add3A_313 : i32 to index
          %swap3A_315 = tpu.vector_load %arg9[%swap3A_314] {strides = array<i32>} : memref<4096xf32, #tpu.memory_space<vmem>>, vector<16xf32>,
          tpu.vector_store %arg9[%swap3A_314], %gather3A_291 {strides = array<i32>} : memref<4096xf32, #tpu.memory_space<vmem>>, vector<16xf32>,
          %add3A_316 = arith.constant 48 : i32
          %add3A_317 = arith.addi %mul3A_194, %add3A_316 : i32
          %swap3A_318 = arith.index_cast %add3A_317 : i32 to index
          %swap3A_319 = tpu.vector_load %arg9[%swap3A_318] {strides = array<i32>} : memref<4096xf32, #tpu.memory_space<vmem>>, vector<16xf32>,
          tpu.vector_store %arg9[%swap3A_318], %gather3A_292 {strides = array<i32>} : memref<4096xf32, #tpu.memory_space<vmem>>, vector<16xf32>,
          %add3A_320 = arith.constant 64 : i32
          %add3A_321 = arith.addi %mul3A_194, %add3A_320 : i32
          %swap3A_322 = arith.index_cast %add3A_321 : i32 to index
          %swap3A_323 = tpu.vector_load %arg9[%swap3A_322] {strides = array<i32>} : memref<4096xf32, #tpu.memory_space<vmem>>, vector<16xf32>,
          tpu.vector_store %arg9[%swap3A_322], %gather3A_293 {strides = array<i32>} : memref<4096xf32, #tpu.memory_space<vmem>>, vector<16xf32>,
          %add3A_324 = arith.constant 80 : i32
          %add3A_325 = arith.addi %mul3A_194, %add3A_324 : i32
          %swap3A_326 = arith.index_cast %add3A_325 : i32 to index
          %swap3A_327 = tpu.vector_load %arg9[%swap3A_326] {strides = array<i32>} : memref<4096xf32, #tpu.memory_space<vmem>>, vector<16xf32>,
          tpu.vector_store %arg9[%swap3A_326], %gather3A_294 {strides = array<i32>} : memref<4096xf32, #tpu.memory_space<vmem>>, vector<16xf32>,
          %add3A_328 = arith.constant 96 : i32
          %add3A_329 = arith.addi %mul3A_194, %add3A_328 : i32
          %swap3A_330 = arith.index_cast %add3A_329 : i32 to index
          %swap3A_331 = tpu.vector_load %arg9[%swap3A_330] {strides = array<i32>} : memref<4096xf32, #tpu.memory_space<vmem>>, vector<16xf32>,
          tpu.vector_store %arg9[%swap3A_330], %gather3A_295 {strides = array<i32>} : memref<4096xf32, #tpu.memory_space<vmem>>, vector<16xf32>,
          %add3A_332 = arith.constant 112 : i32
          %add3A_333 = arith.addi %mul3A_194, %add3A_332 : i32
          %swap3A_334 = arith.index_cast %add3A_333 : i32 to index
          %swap3A_335 = tpu.vector_load %arg9[%swap3A_334] {strides = array<i32>} : memref<4096xf32, #tpu.memory_space<vmem>>, vector<16xf32>,
          tpu.vector_store %arg9[%swap3A_334], %gather3A_296 {strides = array<i32>} : memref<4096xf32, #tpu.memory_space<vmem>>, vector<16xf32>,
          %add3A_336 = arith.constant 128 : i32
          %add3A_337 = arith.addi %mul3A_194, %add3A_336 : i32
          %swap3A_338 = arith.index_cast %add3A_337 : i32 to index
          %swap3A_339 = tpu.vector_load %arg9[%swap3A_338] {strides = array<i32>} : memref<4096xf32, #tpu.memory_space<vmem>>, vector<16xf32>,
          tpu.vector_store %arg9[%swap3A_338], %gather3A_297 {strides = array<i32>} : memref<4096xf32, #tpu.memory_space<vmem>>, vector<16xf32>,
          %add3A_340 = arith.constant 144 : i32
          %add3A_341 = arith.addi %mul3A_194, %add3A_340 : i32
          %swap3A_342 = arith.index_cast %add3A_341 : i32 to index
          %swap3A_343 = tpu.vector_load %arg9[%swap3A_342] {strides = array<i32>} : memref<4096xf32, #tpu.memory_space<vmem>>, vector<16xf32>,
          tpu.vector_store %arg9[%swap3A_342], %gather3A_298 {strides = array<i32>} : memref<4096xf32, #tpu.memory_space<vmem>>, vector<16xf32>,
          %add3A_344 = arith.constant 160 : i32
          %add3A_345 = arith.addi %mul3A_194, %add3A_344 : i32
          %swap3A_346 = arith.index_cast %add3A_345 : i32 to index
          %swap3A_347 = tpu.vector_load %arg9[%swap3A_346] {strides = array<i32>} : memref<4096xf32, #tpu.memory_space<vmem>>, vector<16xf32>,
          tpu.vector_store %arg9[%swap3A_346], %gather3A_299 {strides = array<i32>} : memref<4096xf32, #tpu.memory_space<vmem>>, vector<16xf32>,
          %add3A_348 = arith.constant 176 : i32
          %add3A_349 = arith.addi %mul3A_194, %add3A_348 : i32
          %swap3A_350 = arith.index_cast %add3A_349 : i32 to index
          %swap3A_351 = tpu.vector_load %arg9[%swap3A_350] {strides = array<i32>} : memref<4096xf32, #tpu.memory_space<vmem>>, vector<16xf32>,
          tpu.vector_store %arg9[%swap3A_350], %gather3A_300 {strides = array<i32>} : memref<4096xf32, #tpu.memory_space<vmem>>, vector<16xf32>,
          %add3A_352 = arith.constant 192 : i32
          %add3A_353 = arith.addi %mul3A_194, %add3A_352 : i32
          %swap3A_354 = arith.index_cast %add3A_353 : i32 to index
          %swap3A_355 = tpu.vector_load %arg9[%swap3A_354] {strides = array<i32>} : memref<4096xf32, #tpu.memory_space<vmem>>, vector<16xf32>,
          tpu.vector_store %arg9[%swap3A_354], %gather3A_301 {strides = array<i32>} : memref<4096xf32, #tpu.memory_space<vmem>>, vector<16xf32>,
          %add3A_356 = arith.constant 208 : i32
          %add3A_357 = arith.addi %mul3A_194, %add3A_356 : i32
          %swap3A_358 = arith.index_cast %add3A_357 : i32 to index
          %swap3A_359 = tpu.vector_load %arg9[%swap3A_358] {strides = array<i32>} : memref<4096xf32, #tpu.memory_space<vmem>>, vector<16xf32>,
          tpu.vector_store %arg9[%swap3A_358], %gather3A_302 {strides = array<i32>} : memref<4096xf32, #tpu.memory_space<vmem>>, vector<16xf32>,
          %add3A_360 = arith.constant 224 : i32
          %add3A_361 = arith.addi %mul3A_194, %add3A_360 : i32
          %swap3A_362 = arith.index_cast %add3A_361 : i32 to index
          %swap3A_363 = tpu.vector_load %arg9[%swap3A_362] {strides = array<i32>} : memref<4096xf32, #tpu.memory_space<vmem>>, vector<16xf32>,
          tpu.vector_store %arg9[%swap3A_362], %gather3A_303 {strides = array<i32>} : memref<4096xf32, #tpu.memory_space<vmem>>, vector<16xf32>,
          %add3A_364 = arith.constant 240 : i32
          %add3A_365 = arith.addi %mul3A_194, %add3A_364 : i32
          %swap3A_366 = arith.index_cast %add3A_365 : i32 to index
          %swap3A_367 = tpu.vector_load %arg9[%swap3A_366] {strides = array<i32>} : memref<4096xf32, #tpu.memory_space<vmem>>, vector<16xf32>,
          tpu.vector_store %arg9[%swap3A_366], %gather3A_304 {strides = array<i32>} : memref<4096xf32, #tpu.memory_space<vmem>>, vector<16xf32>,
        }
        %scan3A_95 = arith.constant 16 : i32
        %dma_start3A_96 = arith.constant 0 : i32
        %dma_start3A_97 = tpu.memref_slice %arg4[%add3A_77, %add3A, %dma_start3A_96] : memref<200x32x4096xf32, #tpu.memory_space<hbm>> -> memref<1x1x4096xf32, #tpu.memory_space<hbm>>
        %dma_start3A_98 = tpu.memref_squeeze %dma_start3A_97 : memref<1x1x4096xf32, #tpu.memory_space<hbm>> -> memref<4096xf32, #tpu.memory_space<hbm>>
        %dma_start3A_99 = arith.constant 0 : i32
        %dma_start3A_100 = tpu.memref_slice %arg4[%add3A_77, %add3A, %dma_start3A_99] : memref<200x32x4096xf32, #tpu.memory_space<hbm>> -> memref<1x1x4096xf32, #tpu.memory_space<hbm>>
        %dma_start3A_101 = tpu.memref_squeeze %dma_start3A_100 : memref<1x1x4096xf32, #tpu.memory_space<hbm>> -> memref<4096xf32, #tpu.memory_space<hbm>>
        tpu.enqueue_dma source(%arg9 : memref<4096xf32, #tpu.memory_space<vmem>>) target(%dma_start3A_101 : memref<4096xf32, #tpu.memory_space<hbm>>) target_semaphore(%arg14 : memref<!tpu.dma_semaphore, #tpu.memory_space<semaphore_mem>>)
        %mul3A_102 = arith.constant 8 : i32
        %mul3A_103 = arith.muli %add3A_48, %mul3A_102 : i32
        %add3A_104 = arith.addi %mul3A_103, %add3A_72 : i32
        %add3A_105 = arith.constant 1 : i32
        %add3A_106 = arith.addi %add3A_104, %add3A_105 : i32
        %ge3A_107 = arith.constant 2 : i32
        %ge3A_108 = arith.cmpi sge, %add3A_106, %ge3A_107 : i32
        %convert_element_type3A_109 = arith.extui %ge3A_108 : i1 to i32
        %cond3A_110 = arith.constant 0 : i32
        %cond3A_111 = arith.cmpi ne, %convert_element_type3A_109, %cond3A_110 : i32
        scf.if %cond3A_111 {
          %dma_wait3A_188 = arith.constant 0 : i32
          %dma_wait3A_189 = arith.constant 0 : i32
          %dma_wait3A_190 = arith.constant 0 : i32
          %dma_wait3A_191 = tpu.memref_slice %arg4[%dma_wait3A_188, %dma_wait3A_189, %dma_wait3A_190] : memref<200x32x4096xf32, #tpu.memory_space<hbm>> -> memref<1x1x4096xf32, #tpu.memory_space<hbm>>
          %dma_wait3A_192 = tpu.memref_squeeze %dma_wait3A_191 : memref<1x1x4096xf32, #tpu.memory_space<hbm>> -> memref<4096xf32, #tpu.memory_space<hbm>>
          %dma_wait3A_193 = arith.constant 0 : i32
          %dma_wait3A_194 = tpu.memref_slice %arg4[%dma_wait3A_188, %dma_wait3A_189, %dma_wait3A_193] : memref<200x32x4096xf32, #tpu.memory_space<hbm>> -> memref<1x1x4096xf32, #tpu.memory_space<hbm>>
          %dma_wait3A_195 = tpu.memref_squeeze %dma_wait3A_194 : memref<1x1x4096xf32, #tpu.memory_space<hbm>> -> memref<4096xf32, #tpu.memory_space<hbm>>
          tpu.wait_dma2 semaphore(%arg15 : memref<!tpu.dma_semaphore, #tpu.memory_space<semaphore_mem>>) src(%arg10 : memref<4096xf32, #tpu.memory_space<vmem>>) dst(%dma_wait3A_195 : memref<4096xf32, #tpu.memory_space<hbm>>)
        } else {
        }
        %scan3A_112 = arith.constant 0 : i32
        %scan3A_113 = arith.constant 16 : i32
        %scan3A_114 = arith.addi %scan3A_112, %scan3A_113 : i32
        %scan3A_115 = arith.constant 1 : i32
        scf.for %scan3A_188 = %scan3A_112 to %scan3A_114 step %scan3A_115  : i32 {
          %mul3A_189 = arith.constant 1 : i32
          %mul3A_190 = arith.muli %scan3A_188, %mul3A_189 : i32
          %add3A_191 = arith.constant 0 : i32
          %add3A_192 = arith.addi %add3A_191, %mul3A_190 : i32
          %mul3A_193 = arith.constant 256 : i32
          %mul3A_194 = arith.muli %add3A_192, %mul3A_193 : i32
          %add3A_195 = arith.constant 0 : i32
          %add3A_196 = arith.addi %mul3A_194, %add3A_195 : i32
          %get3A = arith.constant 1 : i32
          %get3A_197 = arith.index_cast %get3A : i32 to index
          %get3A_198 = arith.index_cast %add3A_196 : i32 to index
          %get3A_199 = tpu.vector_load %arg7[%get3A_197, %get3A_198] {strides = array<i32>} : memref<2x4096xi32, #tpu.memory_space<vmem>>, vector<16xi32>,
          %add3A_200 = arith.constant 16 : i32
          %add3A_201 = arith.addi %mul3A_194, %add3A_200 : i32
          %get3A_202 = arith.constant 1 : i32
          %get3A_203 = arith.index_cast %get3A_202 : i32 to index
          %get3A_204 = arith.index_cast %add3A_201 : i32 to index
          %get3A_205 = tpu.vector_load %arg7[%get3A_203, %get3A_204] {strides = array<i32>} : memref<2x4096xi32, #tpu.memory_space<vmem>>, vector<16xi32>,
          %add3A_206 = arith.constant 32 : i32
          %add3A_207 = arith.addi %mul3A_194, %add3A_206 : i32
          %get3A_208 = arith.constant 1 : i32
          %get3A_209 = arith.index_cast %get3A_208 : i32 to index
          %get3A_210 = arith.index_cast %add3A_207 : i32 to index
          %get3A_211 = tpu.vector_load %arg7[%get3A_209, %get3A_210] {strides = array<i32>} : memref<2x4096xi32, #tpu.memory_space<vmem>>, vector<16xi32>,
          %add3A_212 = arith.constant 48 : i32
          %add3A_213 = arith.addi %mul3A_194, %add3A_212 : i32
          %get3A_214 = arith.constant 1 : i32
          %get3A_215 = arith.index_cast %get3A_214 : i32 to index
          %get3A_216 = arith.index_cast %add3A_213 : i32 to index
          %get3A_217 = tpu.vector_load %arg7[%get3A_215, %get3A_216] {strides = array<i32>} : memref<2x4096xi32, #tpu.memory_space<vmem>>, vector<16xi32>,
          %add3A_218 = arith.constant 64 : i32
          %add3A_219 = arith.addi %mul3A_194, %add3A_218 : i32
          %get3A_220 = arith.constant 1 : i32
          %get3A_221 = arith.index_cast %get3A_220 : i32 to index
          %get3A_222 = arith.index_cast %add3A_219 : i32 to index
          %get3A_223 = tpu.vector_load %arg7[%get3A_221, %get3A_222] {strides = array<i32>} : memref<2x4096xi32, #tpu.memory_space<vmem>>, vector<16xi32>,
          %add3A_224 = arith.constant 80 : i32
          %add3A_225 = arith.addi %mul3A_194, %add3A_224 : i32
          %get3A_226 = arith.constant 1 : i32
          %get3A_227 = arith.index_cast %get3A_226 : i32 to index
          %get3A_228 = arith.index_cast %add3A_225 : i32 to index
          %get3A_229 = tpu.vector_load %arg7[%get3A_227, %get3A_228] {strides = array<i32>} : memref<2x4096xi32, #tpu.memory_space<vmem>>, vector<16xi32>,
          %add3A_230 = arith.constant 96 : i32
          %add3A_231 = arith.addi %mul3A_194, %add3A_230 : i32
          %get3A_232 = arith.constant 1 : i32
          %get3A_233 = arith.index_cast %get3A_232 : i32 to index
          %get3A_234 = arith.index_cast %add3A_231 : i32 to index
          %get3A_235 = tpu.vector_load %arg7[%get3A_233, %get3A_234] {strides = array<i32>} : memref<2x4096xi32, #tpu.memory_space<vmem>>, vector<16xi32>,
          %add3A_236 = arith.constant 112 : i32
          %add3A_237 = arith.addi %mul3A_194, %add3A_236 : i32
          %get3A_238 = arith.constant 1 : i32
          %get3A_239 = arith.index_cast %get3A_238 : i32 to index
          %get3A_240 = arith.index_cast %add3A_237 : i32 to index
          %get3A_241 = tpu.vector_load %arg7[%get3A_239, %get3A_240] {strides = array<i32>} : memref<2x4096xi32, #tpu.memory_space<vmem>>, vector<16xi32>,
          %add3A_242 = arith.constant 128 : i32
          %add3A_243 = arith.addi %mul3A_194, %add3A_242 : i32
          %get3A_244 = arith.constant 1 : i32
          %get3A_245 = arith.index_cast %get3A_244 : i32 to index
          %get3A_246 = arith.index_cast %add3A_243 : i32 to index
          %get3A_247 = tpu.vector_load %arg7[%get3A_245, %get3A_246] {strides = array<i32>} : memref<2x4096xi32, #tpu.memory_space<vmem>>, vector<16xi32>,
          %add3A_248 = arith.constant 144 : i32
          %add3A_249 = arith.addi %mul3A_194, %add3A_248 : i32
          %get3A_250 = arith.constant 1 : i32
          %get3A_251 = arith.index_cast %get3A_250 : i32 to index
          %get3A_252 = arith.index_cast %add3A_249 : i32 to index
          %get3A_253 = tpu.vector_load %arg7[%get3A_251, %get3A_252] {strides = array<i32>} : memref<2x4096xi32, #tpu.memory_space<vmem>>, vector<16xi32>,
          %add3A_254 = arith.constant 160 : i32
          %add3A_255 = arith.addi %mul3A_194, %add3A_254 : i32
          %get3A_256 = arith.constant 1 : i32
          %get3A_257 = arith.index_cast %get3A_256 : i32 to index
          %get3A_258 = arith.index_cast %add3A_255 : i32 to index
          %get3A_259 = tpu.vector_load %arg7[%get3A_257, %get3A_258] {strides = array<i32>} : memref<2x4096xi32, #tpu.memory_space<vmem>>, vector<16xi32>,
          %add3A_260 = arith.constant 176 : i32
          %add3A_261 = arith.addi %mul3A_194, %add3A_260 : i32
          %get3A_262 = arith.constant 1 : i32
          %get3A_263 = arith.index_cast %get3A_262 : i32 to index
          %get3A_264 = arith.index_cast %add3A_261 : i32 to index
          %get3A_265 = tpu.vector_load %arg7[%get3A_263, %get3A_264] {strides = array<i32>} : memref<2x4096xi32, #tpu.memory_space<vmem>>, vector<16xi32>,
          %add3A_266 = arith.constant 192 : i32
          %add3A_267 = arith.addi %mul3A_194, %add3A_266 : i32
          %get3A_268 = arith.constant 1 : i32
          %get3A_269 = arith.index_cast %get3A_268 : i32 to index
          %get3A_270 = arith.index_cast %add3A_267 : i32 to index
          %get3A_271 = tpu.vector_load %arg7[%get3A_269, %get3A_270] {strides = array<i32>} : memref<2x4096xi32, #tpu.memory_space<vmem>>, vector<16xi32>,
          %add3A_272 = arith.constant 208 : i32
          %add3A_273 = arith.addi %mul3A_194, %add3A_272 : i32
          %get3A_274 = arith.constant 1 : i32
          %get3A_275 = arith.index_cast %get3A_274 : i32 to index
          %get3A_276 = arith.index_cast %add3A_273 : i32 to index
          %get3A_277 = tpu.vector_load %arg7[%get3A_275, %get3A_276] {strides = array<i32>} : memref<2x4096xi32, #tpu.memory_space<vmem>>, vector<16xi32>,
          %add3A_278 = arith.constant 224 : i32
          %add3A_279 = arith.addi %mul3A_194, %add3A_278 : i32
          %get3A_280 = arith.constant 1 : i32
          %get3A_281 = arith.index_cast %get3A_280 : i32 to index
          %get3A_282 = arith.index_cast %add3A_279 : i32 to index
          %get3A_283 = tpu.vector_load %arg7[%get3A_281, %get3A_282] {strides = array<i32>} : memref<2x4096xi32, #tpu.memory_space<vmem>>, vector<16xi32>,
          %add3A_284 = arith.constant 240 : i32
          %add3A_285 = arith.addi %mul3A_194, %add3A_284 : i32
          %get3A_286 = arith.constant 1 : i32
          %get3A_287 = arith.index_cast %get3A_286 : i32 to index
          %get3A_288 = arith.index_cast %add3A_285 : i32 to index
          %get3A_289 = tpu.vector_load %arg7[%get3A_287, %get3A_288] {strides = array<i32>} : memref<2x4096xi32, #tpu.memory_space<vmem>>, vector<16xi32>,
          %gather3A = tpu.vector_load_idx %arg6[%get3A_199] : memref<100000xf32, #tpu.memory_space<vmem>>[vector<16xi32>], vector<16xf32>,
          %gather3A_290 = tpu.vector_load_idx %arg6[%get3A_205] : memref<100000xf32, #tpu.memory_space<vmem>>[vector<16xi32>], vector<16xf32>,
          %gather3A_291 = tpu.vector_load_idx %arg6[%get3A_211] : memref<100000xf32, #tpu.memory_space<vmem>>[vector<16xi32>], vector<16xf32>,
          %gather3A_292 = tpu.vector_load_idx %arg6[%get3A_217] : memref<100000xf32, #tpu.memory_space<vmem>>[vector<16xi32>], vector<16xf32>,
          %gather3A_293 = tpu.vector_load_idx %arg6[%get3A_223] : memref<100000xf32, #tpu.memory_space<vmem>>[vector<16xi32>], vector<16xf32>,
          %gather3A_294 = tpu.vector_load_idx %arg6[%get3A_229] : memref<100000xf32, #tpu.memory_space<vmem>>[vector<16xi32>], vector<16xf32>,
          %gather3A_295 = tpu.vector_load_idx %arg6[%get3A_235] : memref<100000xf32, #tpu.memory_space<vmem>>[vector<16xi32>], vector<16xf32>,
          %gather3A_296 = tpu.vector_load_idx %arg6[%get3A_241] : memref<100000xf32, #tpu.memory_space<vmem>>[vector<16xi32>], vector<16xf32>,
          %gather3A_297 = tpu.vector_load_idx %arg6[%get3A_247] : memref<100000xf32, #tpu.memory_space<vmem>>[vector<16xi32>], vector<16xf32>,
          %gather3A_298 = tpu.vector_load_idx %arg6[%get3A_253] : memref<100000xf32, #tpu.memory_space<vmem>>[vector<16xi32>], vector<16xf32>,
          %gather3A_299 = tpu.vector_load_idx %arg6[%get3A_259] : memref<100000xf32, #tpu.memory_space<vmem>>[vector<16xi32>], vector<16xf32>,
          %gather3A_300 = tpu.vector_load_idx %arg6[%get3A_265] : memref<100000xf32, #tpu.memory_space<vmem>>[vector<16xi32>], vector<16xf32>,
          %gather3A_301 = tpu.vector_load_idx %arg6[%get3A_271] : memref<100000xf32, #tpu.memory_space<vmem>>[vector<16xi32>], vector<16xf32>,
          %gather3A_302 = tpu.vector_load_idx %arg6[%get3A_277] : memref<100000xf32, #tpu.memory_space<vmem>>[vector<16xi32>], vector<16xf32>,
          %gather3A_303 = tpu.vector_load_idx %arg6[%get3A_283] : memref<100000xf32, #tpu.memory_space<vmem>>[vector<16xi32>], vector<16xf32>,
          %gather3A_304 = tpu.vector_load_idx %arg6[%get3A_289] : memref<100000xf32, #tpu.memory_space<vmem>>[vector<16xi32>], vector<16xf32>,
          %add3A_305 = arith.constant 0 : i32
          %add3A_306 = arith.addi %mul3A_194, %add3A_305 : i32
          %swap3A = arith.index_cast %add3A_306 : i32 to index
          %swap3A_307 = tpu.vector_load %arg10[%swap3A] {strides = array<i32>} : memref<4096xf32, #tpu.memory_space<vmem>>, vector<16xf32>,
          tpu.vector_store %arg10[%swap3A], %gather3A {strides = array<i32>} : memref<4096xf32, #tpu.memory_space<vmem>>, vector<16xf32>,
          %add3A_308 = arith.constant 16 : i32
          %add3A_309 = arith.addi %mul3A_194, %add3A_308 : i32
          %swap3A_310 = arith.index_cast %add3A_309 : i32 to index
          %swap3A_311 = tpu.vector_load %arg10[%swap3A_310] {strides = array<i32>} : memref<4096xf32, #tpu.memory_space<vmem>>, vector<16xf32>,
          tpu.vector_store %arg10[%swap3A_310], %gather3A_290 {strides = array<i32>} : memref<4096xf32, #tpu.memory_space<vmem>>, vector<16xf32>,
          %add3A_312 = arith.constant 32 : i32
          %add3A_313 = arith.addi %mul3A_194, %add3A_312 : i32
          %swap3A_314 = arith.index_cast %add3A_313 : i32 to index
          %swap3A_315 = tpu.vector_load %arg10[%swap3A_314] {strides = array<i32>} : memref<4096xf32, #tpu.memory_space<vmem>>, vector<16xf32>,
          tpu.vector_store %arg10[%swap3A_314], %gather3A_291 {strides = array<i32>} : memref<4096xf32, #tpu.memory_space<vmem>>, vector<16xf32>,
          %add3A_316 = arith.constant 48 : i32
          %add3A_317 = arith.addi %mul3A_194, %add3A_316 : i32
          %swap3A_318 = arith.index_cast %add3A_317 : i32 to index
          %swap3A_319 = tpu.vector_load %arg10[%swap3A_318] {strides = array<i32>} : memref<4096xf32, #tpu.memory_space<vmem>>, vector<16xf32>,
          tpu.vector_store %arg10[%swap3A_318], %gather3A_292 {strides = array<i32>} : memref<4096xf32, #tpu.memory_space<vmem>>, vector<16xf32>,
          %add3A_320 = arith.constant 64 : i32
          %add3A_321 = arith.addi %mul3A_194, %add3A_320 : i32
          %swap3A_322 = arith.index_cast %add3A_321 : i32 to index
          %swap3A_323 = tpu.vector_load %arg10[%swap3A_322] {strides = array<i32>} : memref<4096xf32, #tpu.memory_space<vmem>>, vector<16xf32>,
          tpu.vector_store %arg10[%swap3A_322], %gather3A_293 {strides = array<i32>} : memref<4096xf32, #tpu.memory_space<vmem>>, vector<16xf32>,
          %add3A_324 = arith.constant 80 : i32
          %add3A_325 = arith.addi %mul3A_194, %add3A_324 : i32
          %swap3A_326 = arith.index_cast %add3A_325 : i32 to index
          %swap3A_327 = tpu.vector_load %arg10[%swap3A_326] {strides = array<i32>} : memref<4096xf32, #tpu.memory_space<vmem>>, vector<16xf32>,
          tpu.vector_store %arg10[%swap3A_326], %gather3A_294 {strides = array<i32>} : memref<4096xf32, #tpu.memory_space<vmem>>, vector<16xf32>,
          %add3A_328 = arith.constant 96 : i32
          %add3A_329 = arith.addi %mul3A_194, %add3A_328 : i32
          %swap3A_330 = arith.index_cast %add3A_329 : i32 to index
          %swap3A_331 = tpu.vector_load %arg10[%swap3A_330] {strides = array<i32>} : memref<4096xf32, #tpu.memory_space<vmem>>, vector<16xf32>,
          tpu.vector_store %arg10[%swap3A_330], %gather3A_295 {strides = array<i32>} : memref<4096xf32, #tpu.memory_space<vmem>>, vector<16xf32>,
          %add3A_332 = arith.constant 112 : i32
          %add3A_333 = arith.addi %mul3A_194, %add3A_332 : i32
          %swap3A_334 = arith.index_cast %add3A_333 : i32 to index
          %swap3A_335 = tpu.vector_load %arg10[%swap3A_334] {strides = array<i32>} : memref<4096xf32, #tpu.memory_space<vmem>>, vector<16xf32>,
          tpu.vector_store %arg10[%swap3A_334], %gather3A_296 {strides = array<i32>} : memref<4096xf32, #tpu.memory_space<vmem>>, vector<16xf32>,
          %add3A_336 = arith.constant 128 : i32
          %add3A_337 = arith.addi %mul3A_194, %add3A_336 : i32
          %swap3A_338 = arith.index_cast %add3A_337 : i32 to index
          %swap3A_339 = tpu.vector_load %arg10[%swap3A_338] {strides = array<i32>} : memref<4096xf32, #tpu.memory_space<vmem>>, vector<16xf32>,
          tpu.vector_store %arg10[%swap3A_338], %gather3A_297 {strides = array<i32>} : memref<4096xf32, #tpu.memory_space<vmem>>, vector<16xf32>,
          %add3A_340 = arith.constant 144 : i32
          %add3A_341 = arith.addi %mul3A_194, %add3A_340 : i32
          %swap3A_342 = arith.index_cast %add3A_341 : i32 to index
          %swap3A_343 = tpu.vector_load %arg10[%swap3A_342] {strides = array<i32>} : memref<4096xf32, #tpu.memory_space<vmem>>, vector<16xf32>,
          tpu.vector_store %arg10[%swap3A_342], %gather3A_298 {strides = array<i32>} : memref<4096xf32, #tpu.memory_space<vmem>>, vector<16xf32>,
          %add3A_344 = arith.constant 160 : i32
          %add3A_345 = arith.addi %mul3A_194, %add3A_344 : i32
          %swap3A_346 = arith.index_cast %add3A_345 : i32 to index
          %swap3A_347 = tpu.vector_load %arg10[%swap3A_346] {strides = array<i32>} : memref<4096xf32, #tpu.memory_space<vmem>>, vector<16xf32>,
          tpu.vector_store %arg10[%swap3A_346], %gather3A_299 {strides = array<i32>} : memref<4096xf32, #tpu.memory_space<vmem>>, vector<16xf32>,
          %add3A_348 = arith.constant 176 : i32
          %add3A_349 = arith.addi %mul3A_194, %add3A_348 : i32
          %swap3A_350 = arith.index_cast %add3A_349 : i32 to index
          %swap3A_351 = tpu.vector_load %arg10[%swap3A_350] {strides = array<i32>} : memref<4096xf32, #tpu.memory_space<vmem>>, vector<16xf32>,
          tpu.vector_store %arg10[%swap3A_350], %gather3A_300 {strides = array<i32>} : memref<4096xf32, #tpu.memory_space<vmem>>, vector<16xf32>,
          %add3A_352 = arith.constant 192 : i32
          %add3A_353 = arith.addi %mul3A_194, %add3A_352 : i32
          %swap3A_354 = arith.index_cast %add3A_353 : i32 to index
          %swap3A_355 = tpu.vector_load %arg10[%swap3A_354] {strides = array<i32>} : memref<4096xf32, #tpu.memory_space<vmem>>, vector<16xf32>,
          tpu.vector_store %arg10[%swap3A_354], %gather3A_301 {strides = array<i32>} : memref<4096xf32, #tpu.memory_space<vmem>>, vector<16xf32>,
          %add3A_356 = arith.constant 208 : i32
          %add3A_357 = arith.addi %mul3A_194, %add3A_356 : i32
          %swap3A_358 = arith.index_cast %add3A_357 : i32 to index
          %swap3A_359 = tpu.vector_load %arg10[%swap3A_358] {strides = array<i32>} : memref<4096xf32, #tpu.memory_space<vmem>>, vector<16xf32>,
          tpu.vector_store %arg10[%swap3A_358], %gather3A_302 {strides = array<i32>} : memref<4096xf32, #tpu.memory_space<vmem>>, vector<16xf32>,
          %add3A_360 = arith.constant 224 : i32
          %add3A_361 = arith.addi %mul3A_194, %add3A_360 : i32
          %swap3A_362 = arith.index_cast %add3A_361 : i32 to index
          %swap3A_363 = tpu.vector_load %arg10[%swap3A_362] {strides = array<i32>} : memref<4096xf32, #tpu.memory_space<vmem>>, vector<16xf32>,
          tpu.vector_store %arg10[%swap3A_362], %gather3A_303 {strides = array<i32>} : memref<4096xf32, #tpu.memory_space<vmem>>, vector<16xf32>,
          %add3A_364 = arith.constant 240 : i32
          %add3A_365 = arith.addi %mul3A_194, %add3A_364 : i32
          %swap3A_366 = arith.index_cast %add3A_365 : i32 to index
          %swap3A_367 = tpu.vector_load %arg10[%swap3A_366] {strides = array<i32>} : memref<4096xf32, #tpu.memory_space<vmem>>, vector<16xf32>,
          tpu.vector_store %arg10[%swap3A_366], %gather3A_304 {strides = array<i32>} : memref<4096xf32, #tpu.memory_space<vmem>>, vector<16xf32>,
        }
        %scan3A_116 = arith.constant 16 : i32
        %add3A_117 = arith.constant 4 : i32
        %add3A_118 = arith.addi %add3A_106, %add3A_117 : i32
        %lt3A_119 = arith.constant 200 : i32
        %lt3A_120 = arith.cmpi slt, %add3A_118, %lt3A_119 : i32
        %convert_element_type3A_121 = arith.extui %lt3A_120 : i1 to i32
        %cond3A_122 = arith.constant 0 : i32
        %cond3A_123 = arith.cmpi ne, %convert_element_type3A_121, %cond3A_122 : i32
        scf.if %cond3A_123 {
          %add3A_188 = arith.constant 3 : i32
          %add3A_189 = arith.addi %add3A_106, %add3A_188 : i32
          %div3A = arith.constant 8 : i32
          %div3A_190 = arith.divsi %add3A_189, %div3A : i32
          %rem3A = arith.constant 3 : i32
          %rem3A_191 = arith.remsi %div3A_190, %rem3A : i32
          %add3A_192 = arith.constant 3 : i32
          %add3A_193 = arith.addi %add3A_106, %add3A_192 : i32
          %rem3A_194 = arith.constant 8 : i32
          %rem3A_195 = arith.remsi %add3A_193, %rem3A_194 : i32
          %dma_start3A_196 = arith.constant 0 : i32
          %dma_start3A_197 = tpu.memref_slice %arg5[%rem3A_191, %rem3A_195, %dma_start3A_196] : memref<3x8x4096xi32, #tpu.memory_space<vmem_shared>> -> memref<1x2x4096xi32, #tpu.memory_space<vmem_shared>>
          %dma_start3A_198 = tpu.memref_squeeze %dma_start3A_197 : memref<1x2x4096xi32, #tpu.memory_space<vmem_shared>> -> memref<2x4096xi32, #tpu.memory_space<vmem_shared>>
          %dma_start3A_199 = arith.constant 0 : i32
          %dma_start3A_200 = tpu.memref_slice %arg5[%rem3A_191, %rem3A_195, %dma_start3A_199] : memref<3x8x4096xi32, #tpu.memory_space<vmem_shared>> -> memref<1x2x4096xi32, #tpu.memory_space<vmem_shared>>
          %dma_start3A_201 = tpu.memref_squeeze %dma_start3A_200 : memref<1x2x4096xi32, #tpu.memory_space<vmem_shared>> -> memref<2x4096xi32, #tpu.memory_space<vmem_shared>>
          tpu.enqueue_dma source(%dma_start3A_201 : memref<2x4096xi32, #tpu.memory_space<vmem_shared>>) target(%arg7 : memref<2x4096xi32, #tpu.memory_space<vmem>>) target_semaphore(%arg12 : memref<!tpu.dma_semaphore, #tpu.memory_space<semaphore_mem>>)
        } else {
        }
        %dma_start3A_124 = arith.constant 0 : i32
        %dma_start3A_125 = tpu.memref_slice %arg4[%add3A_106, %add3A, %dma_start3A_124] : memref<200x32x4096xf32, #tpu.memory_space<hbm>> -> memref<1x1x4096xf32, #tpu.memory_space<hbm>>
        %dma_start3A_126 = tpu.memref_squeeze %dma_start3A_125 : memref<1x1x4096xf32, #tpu.memory_space<hbm>> -> memref<4096xf32, #tpu.memory_space<hbm>>
        %dma_start3A_127 = arith.constant 0 : i32
        %dma_start3A_128 = tpu.memref_slice %arg4[%add3A_106, %add3A, %dma_start3A_127] : memref<200x32x4096xf32, #tpu.memory_space<hbm>> -> memref<1x1x4096xf32, #tpu.memory_space<hbm>>
        %dma_start3A_129 = tpu.memref_squeeze %dma_start3A_128 : memref<1x1x4096xf32, #tpu.memory_space<hbm>> -> memref<4096xf32, #tpu.memory_space<hbm>>
        tpu.enqueue_dma source(%arg10 : memref<4096xf32, #tpu.memory_space<vmem>>) target(%dma_start3A_129 : memref<4096xf32, #tpu.memory_space<hbm>>) target_semaphore(%arg15 : memref<!tpu.dma_semaphore, #tpu.memory_space<semaphore_mem>>)
        %mul3A_130 = arith.constant 8 : i32
        %mul3A_131 = arith.muli %add3A_48, %mul3A_130 : i32
        %add3A_132 = arith.addi %mul3A_131, %add3A_72 : i32
        %add3A_133 = arith.constant 2 : i32
        %add3A_134 = arith.addi %add3A_132, %add3A_133 : i32
        %ge3A_135 = arith.constant 2 : i32
        %ge3A_136 = arith.cmpi sge, %add3A_134, %ge3A_135 : i32
        %convert_element_type3A_137 = arith.extui %ge3A_136 : i1 to i32
        %cond3A_138 = arith.constant 0 : i32
        %cond3A_139 = arith.cmpi ne, %convert_element_type3A_137, %cond3A_138 : i32
        scf.if %cond3A_139 {
          %dma_wait3A_188 = arith.constant 0 : i32
          %dma_wait3A_189 = arith.constant 0 : i32
          %dma_wait3A_190 = arith.constant 0 : i32
          %dma_wait3A_191 = tpu.memref_slice %arg4[%dma_wait3A_188, %dma_wait3A_189, %dma_wait3A_190] : memref<200x32x4096xf32, #tpu.memory_space<hbm>> -> memref<1x1x4096xf32, #tpu.memory_space<hbm>>
          %dma_wait3A_192 = tpu.memref_squeeze %dma_wait3A_191 : memref<1x1x4096xf32, #tpu.memory_space<hbm>> -> memref<4096xf32, #tpu.memory_space<hbm>>
          %dma_wait3A_193 = arith.constant 0 : i32
          %dma_wait3A_194 = tpu.memref_slice %arg4[%dma_wait3A_188, %dma_wait3A_189, %dma_wait3A_193] : memref<200x32x4096xf32, #tpu.memory_space<hbm>> -> memref<1x1x4096xf32, #tpu.memory_space<hbm>>
          %dma_wait3A_195 = tpu.memref_squeeze %dma_wait3A_194 : memref<1x1x4096xf32, #tpu.memory_space<hbm>> -> memref<4096xf32, #tpu.memory_space<hbm>>
          tpu.wait_dma2 semaphore(%arg14 : memref<!tpu.dma_semaphore, #tpu.memory_space<semaphore_mem>>) src(%arg9 : memref<4096xf32, #tpu.memory_space<vmem>>) dst(%dma_wait3A_195 : memref<4096xf32, #tpu.memory_space<hbm>>)
        } else {
        }
        %dma_wait3A_140 = arith.constant 0 : i32
        %dma_wait3A_141 = arith.constant 0 : i32
        %dma_wait3A_142 = arith.constant 0 : i32
        %dma_wait3A_143 = tpu.memref_slice %arg5[%dma_wait3A_140, %dma_wait3A_141, %dma_wait3A_142] : memref<3x8x4096xi32, #tpu.memory_space<vmem_shared>> -> memref<1x2x4096xi32, #tpu.memory_space<vmem_shared>>
        %dma_wait3A_144 = tpu.memref_squeeze %dma_wait3A_143 : memref<1x2x4096xi32, #tpu.memory_space<vmem_shared>> -> memref<2x4096xi32, #tpu.memory_space<vmem_shared>>
        %dma_wait3A_145 = arith.constant 0 : i32
        %dma_wait3A_146 = arith.constant 0 : i32
        %dma_wait3A_147 = tpu.memref_slice %arg5[%dma_wait3A_140, %dma_wait3A_145, %dma_wait3A_146] : memref<3x8x4096xi32, #tpu.memory_space<vmem_shared>> -> memref<1x2x4096xi32, #tpu.memory_space<vmem_shared>>
        %dma_wait3A_148 = tpu.memref_squeeze %dma_wait3A_147 : memref<1x2x4096xi32, #tpu.memory_space<vmem_shared>> -> memref<2x4096xi32, #tpu.memory_space<vmem_shared>>
        tpu.wait_dma2 semaphore(%arg13 : memref<!tpu.dma_semaphore, #tpu.memory_space<semaphore_mem>>) src(%dma_wait3A_148 : memref<2x4096xi32, #tpu.memory_space<vmem_shared>>) dst(%arg8 : memref<2x4096xi32, #tpu.memory_space<vmem>>)
        %scan3A_149 = arith.constant 0 : i32
        %scan3A_150 = arith.constant 16 : i32
        %scan3A_151 = arith.addi %scan3A_149, %scan3A_150 : i32
        %scan3A_152 = arith.constant 1 : i32
        scf.for %scan3A_188 = %scan3A_149 to %scan3A_151 step %scan3A_152  : i32 {
          %mul3A_189 = arith.constant 1 : i32
          %mul3A_190 = arith.muli %scan3A_188, %mul3A_189 : i32
          %add3A_191 = arith.constant 0 : i32
          %add3A_192 = arith.addi %add3A_191, %mul3A_190 : i32
          %mul3A_193 = arith.constant 256 : i32
          %mul3A_194 = arith.muli %add3A_192, %mul3A_193 : i32
          %add3A_195 = arith.constant 0 : i32
          %add3A_196 = arith.addi %mul3A_194, %add3A_195 : i32
          %get3A = arith.constant 0 : i32
          %get3A_197 = arith.index_cast %get3A : i32 to index
          %get3A_198 = arith.index_cast %add3A_196 : i32 to index
          %get3A_199 = tpu.vector_load %arg8[%get3A_197, %get3A_198] {strides = array<i32>} : memref<2x4096xi32, #tpu.memory_space<vmem>>, vector<16xi32>,
          %add3A_200 = arith.constant 16 : i32
          %add3A_201 = arith.addi %mul3A_194, %add3A_200 : i32
          %get3A_202 = arith.constant 0 : i32
          %get3A_203 = arith.index_cast %get3A_202 : i32 to index
          %get3A_204 = arith.index_cast %add3A_201 : i32 to index
          %get3A_205 = tpu.vector_load %arg8[%get3A_203, %get3A_204] {strides = array<i32>} : memref<2x4096xi32, #tpu.memory_space<vmem>>, vector<16xi32>,
          %add3A_206 = arith.constant 32 : i32
          %add3A_207 = arith.addi %mul3A_194, %add3A_206 : i32
          %get3A_208 = arith.constant 0 : i32
          %get3A_209 = arith.index_cast %get3A_208 : i32 to index
          %get3A_210 = arith.index_cast %add3A_207 : i32 to index
          %get3A_211 = tpu.vector_load %arg8[%get3A_209, %get3A_210] {strides = array<i32>} : memref<2x4096xi32, #tpu.memory_space<vmem>>, vector<16xi32>,
          %add3A_212 = arith.constant 48 : i32
          %add3A_213 = arith.addi %mul3A_194, %add3A_212 : i32
          %get3A_214 = arith.constant 0 : i32
          %get3A_215 = arith.index_cast %get3A_214 : i32 to index
          %get3A_216 = arith.index_cast %add3A_213 : i32 to index
          %get3A_217 = tpu.vector_load %arg8[%get3A_215, %get3A_216] {strides = array<i32>} : memref<2x4096xi32, #tpu.memory_space<vmem>>, vector<16xi32>,
          %add3A_218 = arith.constant 64 : i32
          %add3A_219 = arith.addi %mul3A_194, %add3A_218 : i32
          %get3A_220 = arith.constant 0 : i32
          %get3A_221 = arith.index_cast %get3A_220 : i32 to index
          %get3A_222 = arith.index_cast %add3A_219 : i32 to index
          %get3A_223 = tpu.vector_load %arg8[%get3A_221, %get3A_222] {strides = array<i32>} : memref<2x4096xi32, #tpu.memory_space<vmem>>, vector<16xi32>,
          %add3A_224 = arith.constant 80 : i32
          %add3A_225 = arith.addi %mul3A_194, %add3A_224 : i32
          %get3A_226 = arith.constant 0 : i32
          %get3A_227 = arith.index_cast %get3A_226 : i32 to index
          %get3A_228 = arith.index_cast %add3A_225 : i32 to index
          %get3A_229 = tpu.vector_load %arg8[%get3A_227, %get3A_228] {strides = array<i32>} : memref<2x4096xi32, #tpu.memory_space<vmem>>, vector<16xi32>,
          %add3A_230 = arith.constant 96 : i32
          %add3A_231 = arith.addi %mul3A_194, %add3A_230 : i32
          %get3A_232 = arith.constant 0 : i32
          %get3A_233 = arith.index_cast %get3A_232 : i32 to index
          %get3A_234 = arith.index_cast %add3A_231 : i32 to index
          %get3A_235 = tpu.vector_load %arg8[%get3A_233, %get3A_234] {strides = array<i32>} : memref<2x4096xi32, #tpu.memory_space<vmem>>, vector<16xi32>,
          %add3A_236 = arith.constant 112 : i32
          %add3A_237 = arith.addi %mul3A_194, %add3A_236 : i32
          %get3A_238 = arith.constant 0 : i32
          %get3A_239 = arith.index_cast %get3A_238 : i32 to index
          %get3A_240 = arith.index_cast %add3A_237 : i32 to index
          %get3A_241 = tpu.vector_load %arg8[%get3A_239, %get3A_240] {strides = array<i32>} : memref<2x4096xi32, #tpu.memory_space<vmem>>, vector<16xi32>,
          %add3A_242 = arith.constant 128 : i32
          %add3A_243 = arith.addi %mul3A_194, %add3A_242 : i32
          %get3A_244 = arith.constant 0 : i32
          %get3A_245 = arith.index_cast %get3A_244 : i32 to index
          %get3A_246 = arith.index_cast %add3A_243 : i32 to index
          %get3A_247 = tpu.vector_load %arg8[%get3A_245, %get3A_246] {strides = array<i32>} : memref<2x4096xi32, #tpu.memory_space<vmem>>, vector<16xi32>,
          %add3A_248 = arith.constant 144 : i32
          %add3A_249 = arith.addi %mul3A_194, %add3A_248 : i32
          %get3A_250 = arith.constant 0 : i32
          %get3A_251 = arith.index_cast %get3A_250 : i32 to index
          %get3A_252 = arith.index_cast %add3A_249 : i32 to index
          %get3A_253 = tpu.vector_load %arg8[%get3A_251, %get3A_252] {strides = array<i32>} : memref<2x4096xi32, #tpu.memory_space<vmem>>, vector<16xi32>,
          %add3A_254 = arith.constant 160 : i32
          %add3A_255 = arith.addi %mul3A_194, %add3A_254 : i32
          %get3A_256 = arith.constant 0 : i32
          %get3A_257 = arith.index_cast %get3A_256 : i32 to index
          %get3A_258 = arith.index_cast %add3A_255 : i32 to index
          %get3A_259 = tpu.vector_load %arg8[%get3A_257, %get3A_258] {strides = array<i32>} : memref<2x4096xi32, #tpu.memory_space<vmem>>, vector<16xi32>,
          %add3A_260 = arith.constant 176 : i32
          %add3A_261 = arith.addi %mul3A_194, %add3A_260 : i32
          %get3A_262 = arith.constant 0 : i32
          %get3A_263 = arith.index_cast %get3A_262 : i32 to index
          %get3A_264 = arith.index_cast %add3A_261 : i32 to index
          %get3A_265 = tpu.vector_load %arg8[%get3A_263, %get3A_264] {strides = array<i32>} : memref<2x4096xi32, #tpu.memory_space<vmem>>, vector<16xi32>,
          %add3A_266 = arith.constant 192 : i32
          %add3A_267 = arith.addi %mul3A_194, %add3A_266 : i32
          %get3A_268 = arith.constant 0 : i32
          %get3A_269 = arith.index_cast %get3A_268 : i32 to index
          %get3A_270 = arith.index_cast %add3A_267 : i32 to index
          %get3A_271 = tpu.vector_load %arg8[%get3A_269, %get3A_270] {strides = array<i32>} : memref<2x4096xi32, #tpu.memory_space<vmem>>, vector<16xi32>,
          %add3A_272 = arith.constant 208 : i32
          %add3A_273 = arith.addi %mul3A_194, %add3A_272 : i32
          %get3A_274 = arith.constant 0 : i32
          %get3A_275 = arith.index_cast %get3A_274 : i32 to index
          %get3A_276 = arith.index_cast %add3A_273 : i32 to index
          %get3A_277 = tpu.vector_load %arg8[%get3A_275, %get3A_276] {strides = array<i32>} : memref<2x4096xi32, #tpu.memory_space<vmem>>, vector<16xi32>,
          %add3A_278 = arith.constant 224 : i32
          %add3A_279 = arith.addi %mul3A_194, %add3A_278 : i32
          %get3A_280 = arith.constant 0 : i32
          %get3A_281 = arith.index_cast %get3A_280 : i32 to index
          %get3A_282 = arith.index_cast %add3A_279 : i32 to index
          %get3A_283 = tpu.vector_load %arg8[%get3A_281, %get3A_282] {strides = array<i32>} : memref<2x4096xi32, #tpu.memory_space<vmem>>, vector<16xi32>,
          %add3A_284 = arith.constant 240 : i32
          %add3A_285 = arith.addi %mul3A_194, %add3A_284 : i32
          %get3A_286 = arith.constant 0 : i32
          %get3A_287 = arith.index_cast %get3A_286 : i32 to index
          %get3A_288 = arith.index_cast %add3A_285 : i32 to index
          %get3A_289 = tpu.vector_load %arg8[%get3A_287, %get3A_288] {strides = array<i32>} : memref<2x4096xi32, #tpu.memory_space<vmem>>, vector<16xi32>,
          %gather3A = tpu.vector_load_idx %arg6[%get3A_199] : memref<100000xf32, #tpu.memory_space<vmem>>[vector<16xi32>], vector<16xf32>,
          %gather3A_290 = tpu.vector_load_idx %arg6[%get3A_205] : memref<100000xf32, #tpu.memory_space<vmem>>[vector<16xi32>], vector<16xf32>,
          %gather3A_291 = tpu.vector_load_idx %arg6[%get3A_211] : memref<100000xf32, #tpu.memory_space<vmem>>[vector<16xi32>], vector<16xf32>,
          %gather3A_292 = tpu.vector_load_idx %arg6[%get3A_217] : memref<100000xf32, #tpu.memory_space<vmem>>[vector<16xi32>], vector<16xf32>,
          %gather3A_293 = tpu.vector_load_idx %arg6[%get3A_223] : memref<100000xf32, #tpu.memory_space<vmem>>[vector<16xi32>], vector<16xf32>,
          %gather3A_294 = tpu.vector_load_idx %arg6[%get3A_229] : memref<100000xf32, #tpu.memory_space<vmem>>[vector<16xi32>], vector<16xf32>,
          %gather3A_295 = tpu.vector_load_idx %arg6[%get3A_235] : memref<100000xf32, #tpu.memory_space<vmem>>[vector<16xi32>], vector<16xf32>,
          %gather3A_296 = tpu.vector_load_idx %arg6[%get3A_241] : memref<100000xf32, #tpu.memory_space<vmem>>[vector<16xi32>], vector<16xf32>,
          %gather3A_297 = tpu.vector_load_idx %arg6[%get3A_247] : memref<100000xf32, #tpu.memory_space<vmem>>[vector<16xi32>], vector<16xf32>,
          %gather3A_298 = tpu.vector_load_idx %arg6[%get3A_253] : memref<100000xf32, #tpu.memory_space<vmem>>[vector<16xi32>], vector<16xf32>,
          %gather3A_299 = tpu.vector_load_idx %arg6[%get3A_259] : memref<100000xf32, #tpu.memory_space<vmem>>[vector<16xi32>], vector<16xf32>,
          %gather3A_300 = tpu.vector_load_idx %arg6[%get3A_265] : memref<100000xf32, #tpu.memory_space<vmem>>[vector<16xi32>], vector<16xf32>,
          %gather3A_301 = tpu.vector_load_idx %arg6[%get3A_271] : memref<100000xf32, #tpu.memory_space<vmem>>[vector<16xi32>], vector<16xf32>,
          %gather3A_302 = tpu.vector_load_idx %arg6[%get3A_277] : memref<100000xf32, #tpu.memory_space<vmem>>[vector<16xi32>], vector<16xf32>,
          %gather3A_303 = tpu.vector_load_idx %arg6[%get3A_283] : memref<100000xf32, #tpu.memory_space<vmem>>[vector<16xi32>], vector<16xf32>,
          %gather3A_304 = tpu.vector_load_idx %arg6[%get3A_289] : memref<100000xf32, #tpu.memory_space<vmem>>[vector<16xi32>], vector<16xf32>,
          %add3A_305 = arith.constant 0 : i32
          %add3A_306 = arith.addi %mul3A_194, %add3A_305 : i32
          %swap3A = arith.index_cast %add3A_306 : i32 to index
          %swap3A_307 = tpu.vector_load %arg9[%swap3A] {strides = array<i32>} : memref<4096xf32, #tpu.memory_space<vmem>>, vector<16xf32>,
          tpu.vector_store %arg9[%swap3A], %gather3A {strides = array<i32>} : memref<4096xf32, #tpu.memory_space<vmem>>, vector<16xf32>,
          %add3A_308 = arith.constant 16 : i32
          %add3A_309 = arith.addi %mul3A_194, %add3A_308 : i32
          %swap3A_310 = arith.index_cast %add3A_309 : i32 to index
          %swap3A_311 = tpu.vector_load %arg9[%swap3A_310] {strides = array<i32>} : memref<4096xf32, #tpu.memory_space<vmem>>, vector<16xf32>,
          tpu.vector_store %arg9[%swap3A_310], %gather3A_290 {strides = array<i32>} : memref<4096xf32, #tpu.memory_space<vmem>>, vector<16xf32>,
          %add3A_312 = arith.constant 32 : i32
          %add3A_313 = arith.addi %mul3A_194, %add3A_312 : i32
          %swap3A_314 = arith.index_cast %add3A_313 : i32 to index
          %swap3A_315 = tpu.vector_load %arg9[%swap3A_314] {strides = array<i32>} : memref<4096xf32, #tpu.memory_space<vmem>>, vector<16xf32>,
          tpu.vector_store %arg9[%swap3A_314], %gather3A_291 {strides = array<i32>} : memref<4096xf32, #tpu.memory_space<vmem>>, vector<16xf32>,
          %add3A_316 = arith.constant 48 : i32
          %add3A_317 = arith.addi %mul3A_194, %add3A_316 : i32
          %swap3A_318 = arith.index_cast %add3A_317 : i32 to index
          %swap3A_319 = tpu.vector_load %arg9[%swap3A_318] {strides = array<i32>} : memref<4096xf32, #tpu.memory_space<vmem>>, vector<16xf32>,
          tpu.vector_store %arg9[%swap3A_318], %gather3A_292 {strides = array<i32>} : memref<4096xf32, #tpu.memory_space<vmem>>, vector<16xf32>,
          %add3A_320 = arith.constant 64 : i32
          %add3A_321 = arith.addi %mul3A_194, %add3A_320 : i32
          %swap3A_322 = arith.index_cast %add3A_321 : i32 to index
          %swap3A_323 = tpu.vector_load %arg9[%swap3A_322] {strides = array<i32>} : memref<4096xf32, #tpu.memory_space<vmem>>, vector<16xf32>,
          tpu.vector_store %arg9[%swap3A_322], %gather3A_293 {strides = array<i32>} : memref<4096xf32, #tpu.memory_space<vmem>>, vector<16xf32>,
          %add3A_324 = arith.constant 80 : i32
          %add3A_325 = arith.addi %mul3A_194, %add3A_324 : i32
          %swap3A_326 = arith.index_cast %add3A_325 : i32 to index
          %swap3A_327 = tpu.vector_load %arg9[%swap3A_326] {strides = array<i32>} : memref<4096xf32, #tpu.memory_space<vmem>>, vector<16xf32>,
          tpu.vector_store %arg9[%swap3A_326], %gather3A_294 {strides = array<i32>} : memref<4096xf32, #tpu.memory_space<vmem>>, vector<16xf32>,
          %add3A_328 = arith.constant 96 : i32
          %add3A_329 = arith.addi %mul3A_194, %add3A_328 : i32
          %swap3A_330 = arith.index_cast %add3A_329 : i32 to index
          %swap3A_331 = tpu.vector_load %arg9[%swap3A_330] {strides = array<i32>} : memref<4096xf32, #tpu.memory_space<vmem>>, vector<16xf32>,
          tpu.vector_store %arg9[%swap3A_330], %gather3A_295 {strides = array<i32>} : memref<4096xf32, #tpu.memory_space<vmem>>, vector<16xf32>,
          %add3A_332 = arith.constant 112 : i32
          %add3A_333 = arith.addi %mul3A_194, %add3A_332 : i32
          %swap3A_334 = arith.index_cast %add3A_333 : i32 to index
          %swap3A_335 = tpu.vector_load %arg9[%swap3A_334] {strides = array<i32>} : memref<4096xf32, #tpu.memory_space<vmem>>, vector<16xf32>,
          tpu.vector_store %arg9[%swap3A_334], %gather3A_296 {strides = array<i32>} : memref<4096xf32, #tpu.memory_space<vmem>>, vector<16xf32>,
          %add3A_336 = arith.constant 128 : i32
          %add3A_337 = arith.addi %mul3A_194, %add3A_336 : i32
          %swap3A_338 = arith.index_cast %add3A_337 : i32 to index
          %swap3A_339 = tpu.vector_load %arg9[%swap3A_338] {strides = array<i32>} : memref<4096xf32, #tpu.memory_space<vmem>>, vector<16xf32>,
          tpu.vector_store %arg9[%swap3A_338], %gather3A_297 {strides = array<i32>} : memref<4096xf32, #tpu.memory_space<vmem>>, vector<16xf32>,
          %add3A_340 = arith.constant 144 : i32
          %add3A_341 = arith.addi %mul3A_194, %add3A_340 : i32
          %swap3A_342 = arith.index_cast %add3A_341 : i32 to index
          %swap3A_343 = tpu.vector_load %arg9[%swap3A_342] {strides = array<i32>} : memref<4096xf32, #tpu.memory_space<vmem>>, vector<16xf32>,
          tpu.vector_store %arg9[%swap3A_342], %gather3A_298 {strides = array<i32>} : memref<4096xf32, #tpu.memory_space<vmem>>, vector<16xf32>,
          %add3A_344 = arith.constant 160 : i32
          %add3A_345 = arith.addi %mul3A_194, %add3A_344 : i32
          %swap3A_346 = arith.index_cast %add3A_345 : i32 to index
          %swap3A_347 = tpu.vector_load %arg9[%swap3A_346] {strides = array<i32>} : memref<4096xf32, #tpu.memory_space<vmem>>, vector<16xf32>,
          tpu.vector_store %arg9[%swap3A_346], %gather3A_299 {strides = array<i32>} : memref<4096xf32, #tpu.memory_space<vmem>>, vector<16xf32>,
          %add3A_348 = arith.constant 176 : i32
          %add3A_349 = arith.addi %mul3A_194, %add3A_348 : i32
          %swap3A_350 = arith.index_cast %add3A_349 : i32 to index
          %swap3A_351 = tpu.vector_load %arg9[%swap3A_350] {strides = array<i32>} : memref<4096xf32, #tpu.memory_space<vmem>>, vector<16xf32>,
          tpu.vector_store %arg9[%swap3A_350], %gather3A_300 {strides = array<i32>} : memref<4096xf32, #tpu.memory_space<vmem>>, vector<16xf32>,
          %add3A_352 = arith.constant 192 : i32
          %add3A_353 = arith.addi %mul3A_194, %add3A_352 : i32
          %swap3A_354 = arith.index_cast %add3A_353 : i32 to index
          %swap3A_355 = tpu.vector_load %arg9[%swap3A_354] {strides = array<i32>} : memref<4096xf32, #tpu.memory_space<vmem>>, vector<16xf32>,
          tpu.vector_store %arg9[%swap3A_354], %gather3A_301 {strides = array<i32>} : memref<4096xf32, #tpu.memory_space<vmem>>, vector<16xf32>,
          %add3A_356 = arith.constant 208 : i32
          %add3A_357 = arith.addi %mul3A_194, %add3A_356 : i32
          %swap3A_358 = arith.index_cast %add3A_357 : i32 to index
          %swap3A_359 = tpu.vector_load %arg9[%swap3A_358] {strides = array<i32>} : memref<4096xf32, #tpu.memory_space<vmem>>, vector<16xf32>,
          tpu.vector_store %arg9[%swap3A_358], %gather3A_302 {strides = array<i32>} : memref<4096xf32, #tpu.memory_space<vmem>>, vector<16xf32>,
          %add3A_360 = arith.constant 224 : i32
          %add3A_361 = arith.addi %mul3A_194, %add3A_360 : i32
          %swap3A_362 = arith.index_cast %add3A_361 : i32 to index
          %swap3A_363 = tpu.vector_load %arg9[%swap3A_362] {strides = array<i32>} : memref<4096xf32, #tpu.memory_space<vmem>>, vector<16xf32>,
          tpu.vector_store %arg9[%swap3A_362], %gather3A_303 {strides = array<i32>} : memref<4096xf32, #tpu.memory_space<vmem>>, vector<16xf32>,
          %add3A_364 = arith.constant 240 : i32
          %add3A_365 = arith.addi %mul3A_194, %add3A_364 : i32
          %swap3A_366 = arith.index_cast %add3A_365 : i32 to index
          %swap3A_367 = tpu.vector_load %arg9[%swap3A_366] {strides = array<i32>} : memref<4096xf32, #tpu.memory_space<vmem>>, vector<16xf32>,
          tpu.vector_store %arg9[%swap3A_366], %gather3A_304 {strides = array<i32>} : memref<4096xf32, #tpu.memory_space<vmem>>, vector<16xf32>,
        }
        %scan3A_153 = arith.constant 16 : i32
        %dma_start3A_154 = arith.constant 0 : i32
        %dma_start3A_155 = tpu.memref_slice %arg4[%add3A_134, %add3A, %dma_start3A_154] : memref<200x32x4096xf32, #tpu.memory_space<hbm>> -> memref<1x1x4096xf32, #tpu.memory_space<hbm>>
        %dma_start3A_156 = tpu.memref_squeeze %dma_start3A_155 : memref<1x1x4096xf32, #tpu.memory_space<hbm>> -> memref<4096xf32, #tpu.memory_space<hbm>>
        %dma_start3A_157 = arith.constant 0 : i32
        %dma_start3A_158 = tpu.memref_slice %arg4[%add3A_134, %add3A, %dma_start3A_157] : memref<200x32x4096xf32, #tpu.memory_space<hbm>> -> memref<1x1x4096xf32, #tpu.memory_space<hbm>>
        %dma_start3A_159 = tpu.memref_squeeze %dma_start3A_158 : memref<1x1x4096xf32, #tpu.memory_space<hbm>> -> memref<4096xf32, #tpu.memory_space<hbm>>
        tpu.enqueue_dma source(%arg9 : memref<4096xf32, #tpu.memory_space<vmem>>) target(%dma_start3A_159 : memref<4096xf32, #tpu.memory_space<hbm>>) target_semaphore(%arg14 : memref<!tpu.dma_semaphore, #tpu.memory_space<semaphore_mem>>)
        %mul3A_160 = arith.constant 8 : i32
        %mul3A_161 = arith.muli %add3A_48, %mul3A_160 : i32
        %add3A_162 = arith.addi %mul3A_161, %add3A_72 : i32
        %add3A_163 = arith.constant 3 : i32
        %add3A_164 = arith.addi %add3A_162, %add3A_163 : i32
        %ge3A_165 = arith.constant 2 : i32
        %ge3A_166 = arith.cmpi sge, %add3A_164, %ge3A_165 : i32
        %convert_element_type3A_167 = arith.extui %ge3A_166 : i1 to i32
        %cond3A_168 = arith.constant 0 : i32
        %cond3A_169 = arith.cmpi ne, %convert_element_type3A_167, %cond3A_168 : i32
        scf.if %cond3A_169 {
          %dma_wait3A_188 = arith.constant 0 : i32
          %dma_wait3A_189 = arith.constant 0 : i32
          %dma_wait3A_190 = arith.constant 0 : i32
          %dma_wait3A_191 = tpu.memref_slice %arg4[%dma_wait3A_188, %dma_wait3A_189, %dma_wait3A_190] : memref<200x32x4096xf32, #tpu.memory_space<hbm>> -> memref<1x1x4096xf32, #tpu.memory_space<hbm>>
          %dma_wait3A_192 = tpu.memref_squeeze %dma_wait3A_191 : memref<1x1x4096xf32, #tpu.memory_space<hbm>> -> memref<4096xf32, #tpu.memory_space<hbm>>
          %dma_wait3A_193 = arith.constant 0 : i32
          %dma_wait3A_194 = tpu.memref_slice %arg4[%dma_wait3A_188, %dma_wait3A_189, %dma_wait3A_193] : memref<200x32x4096xf32, #tpu.memory_space<hbm>> -> memref<1x1x4096xf32, #tpu.memory_space<hbm>>
          %dma_wait3A_195 = tpu.memref_squeeze %dma_wait3A_194 : memref<1x1x4096xf32, #tpu.memory_space<hbm>> -> memref<4096xf32, #tpu.memory_space<hbm>>
          tpu.wait_dma2 semaphore(%arg15 : memref<!tpu.dma_semaphore, #tpu.memory_space<semaphore_mem>>) src(%arg10 : memref<4096xf32, #tpu.memory_space<vmem>>) dst(%dma_wait3A_195 : memref<4096xf32, #tpu.memory_space<hbm>>)
        } else {
        }
        %scan3A_170 = arith.constant 0 : i32
        %scan3A_171 = arith.constant 16 : i32
        %scan3A_172 = arith.addi %scan3A_170, %scan3A_171 : i32
        %scan3A_173 = arith.constant 1 : i32
        scf.for %scan3A_188 = %scan3A_170 to %scan3A_172 step %scan3A_173  : i32 {
          %mul3A_189 = arith.constant 1 : i32
          %mul3A_190 = arith.muli %scan3A_188, %mul3A_189 : i32
          %add3A_191 = arith.constant 0 : i32
          %add3A_192 = arith.addi %add3A_191, %mul3A_190 : i32
          %mul3A_193 = arith.constant 256 : i32
          %mul3A_194 = arith.muli %add3A_192, %mul3A_193 : i32
          %add3A_195 = arith.constant 0 : i32
          %add3A_196 = arith.addi %mul3A_194, %add3A_195 : i32
          %get3A = arith.constant 1 : i32
          %get3A_197 = arith.index_cast %get3A : i32 to index
          %get3A_198 = arith.index_cast %add3A_196 : i32 to index
          %get3A_199 = tpu.vector_load %arg8[%get3A_197, %get3A_198] {strides = array<i32>} : memref<2x4096xi32, #tpu.memory_space<vmem>>, vector<16xi32>,
          %add3A_200 = arith.constant 16 : i32
          %add3A_201 = arith.addi %mul3A_194, %add3A_200 : i32
          %get3A_202 = arith.constant 1 : i32
          %get3A_203 = arith.index_cast %get3A_202 : i32 to index
          %get3A_204 = arith.index_cast %add3A_201 : i32 to index
          %get3A_205 = tpu.vector_load %arg8[%get3A_203, %get3A_204] {strides = array<i32>} : memref<2x4096xi32, #tpu.memory_space<vmem>>, vector<16xi32>,
          %add3A_206 = arith.constant 32 : i32
          %add3A_207 = arith.addi %mul3A_194, %add3A_206 : i32
          %get3A_208 = arith.constant 1 : i32
          %get3A_209 = arith.index_cast %get3A_208 : i32 to index
          %get3A_210 = arith.index_cast %add3A_207 : i32 to index
          %get3A_211 = tpu.vector_load %arg8[%get3A_209, %get3A_210] {strides = array<i32>} : memref<2x4096xi32, #tpu.memory_space<vmem>>, vector<16xi32>,
          %add3A_212 = arith.constant 48 : i32
          %add3A_213 = arith.addi %mul3A_194, %add3A_212 : i32
          %get3A_214 = arith.constant 1 : i32
          %get3A_215 = arith.index_cast %get3A_214 : i32 to index
          %get3A_216 = arith.index_cast %add3A_213 : i32 to index
          %get3A_217 = tpu.vector_load %arg8[%get3A_215, %get3A_216] {strides = array<i32>} : memref<2x4096xi32, #tpu.memory_space<vmem>>, vector<16xi32>,
          %add3A_218 = arith.constant 64 : i32
          %add3A_219 = arith.addi %mul3A_194, %add3A_218 : i32
          %get3A_220 = arith.constant 1 : i32
          %get3A_221 = arith.index_cast %get3A_220 : i32 to index
          %get3A_222 = arith.index_cast %add3A_219 : i32 to index
          %get3A_223 = tpu.vector_load %arg8[%get3A_221, %get3A_222] {strides = array<i32>} : memref<2x4096xi32, #tpu.memory_space<vmem>>, vector<16xi32>,
          %add3A_224 = arith.constant 80 : i32
          %add3A_225 = arith.addi %mul3A_194, %add3A_224 : i32
          %get3A_226 = arith.constant 1 : i32
          %get3A_227 = arith.index_cast %get3A_226 : i32 to index
          %get3A_228 = arith.index_cast %add3A_225 : i32 to index
          %get3A_229 = tpu.vector_load %arg8[%get3A_227, %get3A_228] {strides = array<i32>} : memref<2x4096xi32, #tpu.memory_space<vmem>>, vector<16xi32>,
          %add3A_230 = arith.constant 96 : i32
          %add3A_231 = arith.addi %mul3A_194, %add3A_230 : i32
          %get3A_232 = arith.constant 1 : i32
          %get3A_233 = arith.index_cast %get3A_232 : i32 to index
          %get3A_234 = arith.index_cast %add3A_231 : i32 to index
          %get3A_235 = tpu.vector_load %arg8[%get3A_233, %get3A_234] {strides = array<i32>} : memref<2x4096xi32, #tpu.memory_space<vmem>>, vector<16xi32>,
          %add3A_236 = arith.constant 112 : i32
          %add3A_237 = arith.addi %mul3A_194, %add3A_236 : i32
          %get3A_238 = arith.constant 1 : i32
          %get3A_239 = arith.index_cast %get3A_238 : i32 to index
          %get3A_240 = arith.index_cast %add3A_237 : i32 to index
          %get3A_241 = tpu.vector_load %arg8[%get3A_239, %get3A_240] {strides = array<i32>} : memref<2x4096xi32, #tpu.memory_space<vmem>>, vector<16xi32>,
          %add3A_242 = arith.constant 128 : i32
          %add3A_243 = arith.addi %mul3A_194, %add3A_242 : i32
          %get3A_244 = arith.constant 1 : i32
          %get3A_245 = arith.index_cast %get3A_244 : i32 to index
          %get3A_246 = arith.index_cast %add3A_243 : i32 to index
          %get3A_247 = tpu.vector_load %arg8[%get3A_245, %get3A_246] {strides = array<i32>} : memref<2x4096xi32, #tpu.memory_space<vmem>>, vector<16xi32>,
          %add3A_248 = arith.constant 144 : i32
          %add3A_249 = arith.addi %mul3A_194, %add3A_248 : i32
          %get3A_250 = arith.constant 1 : i32
          %get3A_251 = arith.index_cast %get3A_250 : i32 to index
          %get3A_252 = arith.index_cast %add3A_249 : i32 to index
          %get3A_253 = tpu.vector_load %arg8[%get3A_251, %get3A_252] {strides = array<i32>} : memref<2x4096xi32, #tpu.memory_space<vmem>>, vector<16xi32>,
          %add3A_254 = arith.constant 160 : i32
          %add3A_255 = arith.addi %mul3A_194, %add3A_254 : i32
          %get3A_256 = arith.constant 1 : i32
          %get3A_257 = arith.index_cast %get3A_256 : i32 to index
          %get3A_258 = arith.index_cast %add3A_255 : i32 to index
          %get3A_259 = tpu.vector_load %arg8[%get3A_257, %get3A_258] {strides = array<i32>} : memref<2x4096xi32, #tpu.memory_space<vmem>>, vector<16xi32>,
          %add3A_260 = arith.constant 176 : i32
          %add3A_261 = arith.addi %mul3A_194, %add3A_260 : i32
          %get3A_262 = arith.constant 1 : i32
          %get3A_263 = arith.index_cast %get3A_262 : i32 to index
          %get3A_264 = arith.index_cast %add3A_261 : i32 to index
          %get3A_265 = tpu.vector_load %arg8[%get3A_263, %get3A_264] {strides = array<i32>} : memref<2x4096xi32, #tpu.memory_space<vmem>>, vector<16xi32>,
          %add3A_266 = arith.constant 192 : i32
          %add3A_267 = arith.addi %mul3A_194, %add3A_266 : i32
          %get3A_268 = arith.constant 1 : i32
          %get3A_269 = arith.index_cast %get3A_268 : i32 to index
          %get3A_270 = arith.index_cast %add3A_267 : i32 to index
          %get3A_271 = tpu.vector_load %arg8[%get3A_269, %get3A_270] {strides = array<i32>} : memref<2x4096xi32, #tpu.memory_space<vmem>>, vector<16xi32>,
          %add3A_272 = arith.constant 208 : i32
          %add3A_273 = arith.addi %mul3A_194, %add3A_272 : i32
          %get3A_274 = arith.constant 1 : i32
          %get3A_275 = arith.index_cast %get3A_274 : i32 to index
          %get3A_276 = arith.index_cast %add3A_273 : i32 to index
          %get3A_277 = tpu.vector_load %arg8[%get3A_275, %get3A_276] {strides = array<i32>} : memref<2x4096xi32, #tpu.memory_space<vmem>>, vector<16xi32>,
          %add3A_278 = arith.constant 224 : i32
          %add3A_279 = arith.addi %mul3A_194, %add3A_278 : i32
          %get3A_280 = arith.constant 1 : i32
          %get3A_281 = arith.index_cast %get3A_280 : i32 to index
          %get3A_282 = arith.index_cast %add3A_279 : i32 to index
          %get3A_283 = tpu.vector_load %arg8[%get3A_281, %get3A_282] {strides = array<i32>} : memref<2x4096xi32, #tpu.memory_space<vmem>>, vector<16xi32>,
          %add3A_284 = arith.constant 240 : i32
          %add3A_285 = arith.addi %mul3A_194, %add3A_284 : i32
          %get3A_286 = arith.constant 1 : i32
          %get3A_287 = arith.index_cast %get3A_286 : i32 to index
          %get3A_288 = arith.index_cast %add3A_285 : i32 to index
          %get3A_289 = tpu.vector_load %arg8[%get3A_287, %get3A_288] {strides = array<i32>} : memref<2x4096xi32, #tpu.memory_space<vmem>>, vector<16xi32>,
          %gather3A = tpu.vector_load_idx %arg6[%get3A_199] : memref<100000xf32, #tpu.memory_space<vmem>>[vector<16xi32>], vector<16xf32>,
          %gather3A_290 = tpu.vector_load_idx %arg6[%get3A_205] : memref<100000xf32, #tpu.memory_space<vmem>>[vector<16xi32>], vector<16xf32>,
          %gather3A_291 = tpu.vector_load_idx %arg6[%get3A_211] : memref<100000xf32, #tpu.memory_space<vmem>>[vector<16xi32>], vector<16xf32>,
          %gather3A_292 = tpu.vector_load_idx %arg6[%get3A_217] : memref<100000xf32, #tpu.memory_space<vmem>>[vector<16xi32>], vector<16xf32>,
          %gather3A_293 = tpu.vector_load_idx %arg6[%get3A_223] : memref<100000xf32, #tpu.memory_space<vmem>>[vector<16xi32>], vector<16xf32>,
          %gather3A_294 = tpu.vector_load_idx %arg6[%get3A_229] : memref<100000xf32, #tpu.memory_space<vmem>>[vector<16xi32>], vector<16xf32>,
          %gather3A_295 = tpu.vector_load_idx %arg6[%get3A_235] : memref<100000xf32, #tpu.memory_space<vmem>>[vector<16xi32>], vector<16xf32>,
          %gather3A_296 = tpu.vector_load_idx %arg6[%get3A_241] : memref<100000xf32, #tpu.memory_space<vmem>>[vector<16xi32>], vector<16xf32>,
          %gather3A_297 = tpu.vector_load_idx %arg6[%get3A_247] : memref<100000xf32, #tpu.memory_space<vmem>>[vector<16xi32>], vector<16xf32>,
          %gather3A_298 = tpu.vector_load_idx %arg6[%get3A_253] : memref<100000xf32, #tpu.memory_space<vmem>>[vector<16xi32>], vector<16xf32>,
          %gather3A_299 = tpu.vector_load_idx %arg6[%get3A_259] : memref<100000xf32, #tpu.memory_space<vmem>>[vector<16xi32>], vector<16xf32>,
          %gather3A_300 = tpu.vector_load_idx %arg6[%get3A_265] : memref<100000xf32, #tpu.memory_space<vmem>>[vector<16xi32>], vector<16xf32>,
          %gather3A_301 = tpu.vector_load_idx %arg6[%get3A_271] : memref<100000xf32, #tpu.memory_space<vmem>>[vector<16xi32>], vector<16xf32>,
          %gather3A_302 = tpu.vector_load_idx %arg6[%get3A_277] : memref<100000xf32, #tpu.memory_space<vmem>>[vector<16xi32>], vector<16xf32>,
          %gather3A_303 = tpu.vector_load_idx %arg6[%get3A_283] : memref<100000xf32, #tpu.memory_space<vmem>>[vector<16xi32>], vector<16xf32>,
          %gather3A_304 = tpu.vector_load_idx %arg6[%get3A_289] : memref<100000xf32, #tpu.memory_space<vmem>>[vector<16xi32>], vector<16xf32>,
          %add3A_305 = arith.constant 0 : i32
          %add3A_306 = arith.addi %mul3A_194, %add3A_305 : i32
          %swap3A = arith.index_cast %add3A_306 : i32 to index
          %swap3A_307 = tpu.vector_load %arg10[%swap3A] {strides = array<i32>} : memref<4096xf32, #tpu.memory_space<vmem>>, vector<16xf32>,
          tpu.vector_store %arg10[%swap3A], %gather3A {strides = array<i32>} : memref<4096xf32, #tpu.memory_space<vmem>>, vector<16xf32>,
          %add3A_308 = arith.constant 16 : i32
          %add3A_309 = arith.addi %mul3A_194, %add3A_308 : i32
          %swap3A_310 = arith.index_cast %add3A_309 : i32 to index
          %swap3A_311 = tpu.vector_load %arg10[%swap3A_310] {strides = array<i32>} : memref<4096xf32, #tpu.memory_space<vmem>>, vector<16xf32>,
          tpu.vector_store %arg10[%swap3A_310], %gather3A_290 {strides = array<i32>} : memref<4096xf32, #tpu.memory_space<vmem>>, vector<16xf32>,
          %add3A_312 = arith.constant 32 : i32
          %add3A_313 = arith.addi %mul3A_194, %add3A_312 : i32
          %swap3A_314 = arith.index_cast %add3A_313 : i32 to index
          %swap3A_315 = tpu.vector_load %arg10[%swap3A_314] {strides = array<i32>} : memref<4096xf32, #tpu.memory_space<vmem>>, vector<16xf32>,
          tpu.vector_store %arg10[%swap3A_314], %gather3A_291 {strides = array<i32>} : memref<4096xf32, #tpu.memory_space<vmem>>, vector<16xf32>,
          %add3A_316 = arith.constant 48 : i32
          %add3A_317 = arith.addi %mul3A_194, %add3A_316 : i32
          %swap3A_318 = arith.index_cast %add3A_317 : i32 to index
          %swap3A_319 = tpu.vector_load %arg10[%swap3A_318] {strides = array<i32>} : memref<4096xf32, #tpu.memory_space<vmem>>, vector<16xf32>,
          tpu.vector_store %arg10[%swap3A_318], %gather3A_292 {strides = array<i32>} : memref<4096xf32, #tpu.memory_space<vmem>>, vector<16xf32>,
          %add3A_320 = arith.constant 64 : i32
          %add3A_321 = arith.addi %mul3A_194, %add3A_320 : i32
          %swap3A_322 = arith.index_cast %add3A_321 : i32 to index
          %swap3A_323 = tpu.vector_load %arg10[%swap3A_322] {strides = array<i32>} : memref<4096xf32, #tpu.memory_space<vmem>>, vector<16xf32>,
          tpu.vector_store %arg10[%swap3A_322], %gather3A_293 {strides = array<i32>} : memref<4096xf32, #tpu.memory_space<vmem>>, vector<16xf32>,
          %add3A_324 = arith.constant 80 : i32
          %add3A_325 = arith.addi %mul3A_194, %add3A_324 : i32
          %swap3A_326 = arith.index_cast %add3A_325 : i32 to index
          %swap3A_327 = tpu.vector_load %arg10[%swap3A_326] {strides = array<i32>} : memref<4096xf32, #tpu.memory_space<vmem>>, vector<16xf32>,
          tpu.vector_store %arg10[%swap3A_326], %gather3A_294 {strides = array<i32>} : memref<4096xf32, #tpu.memory_space<vmem>>, vector<16xf32>,
          %add3A_328 = arith.constant 96 : i32
          %add3A_329 = arith.addi %mul3A_194, %add3A_328 : i32
          %swap3A_330 = arith.index_cast %add3A_329 : i32 to index
          %swap3A_331 = tpu.vector_load %arg10[%swap3A_330] {strides = array<i32>} : memref<4096xf32, #tpu.memory_space<vmem>>, vector<16xf32>,
          tpu.vector_store %arg10[%swap3A_330], %gather3A_295 {strides = array<i32>} : memref<4096xf32, #tpu.memory_space<vmem>>, vector<16xf32>,
          %add3A_332 = arith.constant 112 : i32
          %add3A_333 = arith.addi %mul3A_194, %add3A_332 : i32
          %swap3A_334 = arith.index_cast %add3A_333 : i32 to index
          %swap3A_335 = tpu.vector_load %arg10[%swap3A_334] {strides = array<i32>} : memref<4096xf32, #tpu.memory_space<vmem>>, vector<16xf32>,
          tpu.vector_store %arg10[%swap3A_334], %gather3A_296 {strides = array<i32>} : memref<4096xf32, #tpu.memory_space<vmem>>, vector<16xf32>,
          %add3A_336 = arith.constant 128 : i32
          %add3A_337 = arith.addi %mul3A_194, %add3A_336 : i32
          %swap3A_338 = arith.index_cast %add3A_337 : i32 to index
          %swap3A_339 = tpu.vector_load %arg10[%swap3A_338] {strides = array<i32>} : memref<4096xf32, #tpu.memory_space<vmem>>, vector<16xf32>,
          tpu.vector_store %arg10[%swap3A_338], %gather3A_297 {strides = array<i32>} : memref<4096xf32, #tpu.memory_space<vmem>>, vector<16xf32>,
          %add3A_340 = arith.constant 144 : i32
          %add3A_341 = arith.addi %mul3A_194, %add3A_340 : i32
          %swap3A_342 = arith.index_cast %add3A_341 : i32 to index
          %swap3A_343 = tpu.vector_load %arg10[%swap3A_342] {strides = array<i32>} : memref<4096xf32, #tpu.memory_space<vmem>>, vector<16xf32>,
          tpu.vector_store %arg10[%swap3A_342], %gather3A_298 {strides = array<i32>} : memref<4096xf32, #tpu.memory_space<vmem>>, vector<16xf32>,
          %add3A_344 = arith.constant 160 : i32
          %add3A_345 = arith.addi %mul3A_194, %add3A_344 : i32
          %swap3A_346 = arith.index_cast %add3A_345 : i32 to index
          %swap3A_347 = tpu.vector_load %arg10[%swap3A_346] {strides = array<i32>} : memref<4096xf32, #tpu.memory_space<vmem>>, vector<16xf32>,
          tpu.vector_store %arg10[%swap3A_346], %gather3A_299 {strides = array<i32>} : memref<4096xf32, #tpu.memory_space<vmem>>, vector<16xf32>,
          %add3A_348 = arith.constant 176 : i32
          %add3A_349 = arith.addi %mul3A_194, %add3A_348 : i32
          %swap3A_350 = arith.index_cast %add3A_349 : i32 to index
          %swap3A_351 = tpu.vector_load %arg10[%swap3A_350] {strides = array<i32>} : memref<4096xf32, #tpu.memory_space<vmem>>, vector<16xf32>,
          tpu.vector_store %arg10[%swap3A_350], %gather3A_300 {strides = array<i32>} : memref<4096xf32, #tpu.memory_space<vmem>>, vector<16xf32>,
          %add3A_352 = arith.constant 192 : i32
          %add3A_353 = arith.addi %mul3A_194, %add3A_352 : i32
          %swap3A_354 = arith.index_cast %add3A_353 : i32 to index
          %swap3A_355 = tpu.vector_load %arg10[%swap3A_354] {strides = array<i32>} : memref<4096xf32, #tpu.memory_space<vmem>>, vector<16xf32>,
          tpu.vector_store %arg10[%swap3A_354], %gather3A_301 {strides = array<i32>} : memref<4096xf32, #tpu.memory_space<vmem>>, vector<16xf32>,
          %add3A_356 = arith.constant 208 : i32
          %add3A_357 = arith.addi %mul3A_194, %add3A_356 : i32
          %swap3A_358 = arith.index_cast %add3A_357 : i32 to index
          %swap3A_359 = tpu.vector_load %arg10[%swap3A_358] {strides = array<i32>} : memref<4096xf32, #tpu.memory_space<vmem>>, vector<16xf32>,
          tpu.vector_store %arg10[%swap3A_358], %gather3A_302 {strides = array<i32>} : memref<4096xf32, #tpu.memory_space<vmem>>, vector<16xf32>,
          %add3A_360 = arith.constant 224 : i32
          %add3A_361 = arith.addi %mul3A_194, %add3A_360 : i32
          %swap3A_362 = arith.index_cast %add3A_361 : i32 to index
          %swap3A_363 = tpu.vector_load %arg10[%swap3A_362] {strides = array<i32>} : memref<4096xf32, #tpu.memory_space<vmem>>, vector<16xf32>,
          tpu.vector_store %arg10[%swap3A_362], %gather3A_303 {strides = array<i32>} : memref<4096xf32, #tpu.memory_space<vmem>>, vector<16xf32>,
          %add3A_364 = arith.constant 240 : i32
          %add3A_365 = arith.addi %mul3A_194, %add3A_364 : i32
          %swap3A_366 = arith.index_cast %add3A_365 : i32 to index
          %swap3A_367 = tpu.vector_load %arg10[%swap3A_366] {strides = array<i32>} : memref<4096xf32, #tpu.memory_space<vmem>>, vector<16xf32>,
          tpu.vector_store %arg10[%swap3A_366], %gather3A_304 {strides = array<i32>} : memref<4096xf32, #tpu.memory_space<vmem>>, vector<16xf32>,
        }
        %scan3A_174 = arith.constant 16 : i32
        %add3A_175 = arith.constant 4 : i32
        %add3A_176 = arith.addi %add3A_164, %add3A_175 : i32
        %lt3A_177 = arith.constant 200 : i32
        %lt3A_178 = arith.cmpi slt, %add3A_176, %lt3A_177 : i32
        %convert_element_type3A_179 = arith.extui %lt3A_178 : i1 to i32
        %cond3A_180 = arith.constant 0 : i32
        %cond3A_181 = arith.cmpi ne, %convert_element_type3A_179, %cond3A_180 : i32
        scf.if %cond3A_181 {
          %add3A_188 = arith.constant 3 : i32
          %add3A_189 = arith.addi %add3A_164, %add3A_188 : i32
          %div3A = arith.constant 8 : i32
          %div3A_190 = arith.divsi %add3A_189, %div3A : i32
          %rem3A = arith.constant 3 : i32
          %rem3A_191 = arith.remsi %div3A_190, %rem3A : i32
          %add3A_192 = arith.constant 3 : i32
          %add3A_193 = arith.addi %add3A_164, %add3A_192 : i32
          %rem3A_194 = arith.constant 8 : i32
          %rem3A_195 = arith.remsi %add3A_193, %rem3A_194 : i32
          %dma_start3A_196 = arith.constant 0 : i32
          %dma_start3A_197 = tpu.memref_slice %arg5[%rem3A_191, %rem3A_195, %dma_start3A_196] : memref<3x8x4096xi32, #tpu.memory_space<vmem_shared>> -> memref<1x2x4096xi32, #tpu.memory_space<vmem_shared>>
          %dma_start3A_198 = tpu.memref_squeeze %dma_start3A_197 : memref<1x2x4096xi32, #tpu.memory_space<vmem_shared>> -> memref<2x4096xi32, #tpu.memory_space<vmem_shared>>
          %dma_start3A_199 = arith.constant 0 : i32
          %dma_start3A_200 = tpu.memref_slice %arg5[%rem3A_191, %rem3A_195, %dma_start3A_199] : memref<3x8x4096xi32, #tpu.memory_space<vmem_shared>> -> memref<1x2x4096xi32, #tpu.memory_space<vmem_shared>>
          %dma_start3A_201 = tpu.memref_squeeze %dma_start3A_200 : memref<1x2x4096xi32, #tpu.memory_space<vmem_shared>> -> memref<2x4096xi32, #tpu.memory_space<vmem_shared>>
          tpu.enqueue_dma source(%dma_start3A_201 : memref<2x4096xi32, #tpu.memory_space<vmem_shared>>) target(%arg8 : memref<2x4096xi32, #tpu.memory_space<vmem>>) target_semaphore(%arg13 : memref<!tpu.dma_semaphore, #tpu.memory_space<semaphore_mem>>)
        } else {
        }
        %dma_start3A_182 = arith.constant 0 : i32
        %dma_start3A_183 = tpu.memref_slice %arg4[%add3A_164, %add3A, %dma_start3A_182] : memref<200x32x4096xf32, #tpu.memory_space<hbm>> -> memref<1x1x4096xf32, #tpu.memory_space<hbm>>
        %dma_start3A_184 = tpu.memref_squeeze %dma_start3A_183 : memref<1x1x4096xf32, #tpu.memory_space<hbm>> -> memref<4096xf32, #tpu.memory_space<hbm>>
        %dma_start3A_185 = arith.constant 0 : i32
        %dma_start3A_186 = tpu.memref_slice %arg4[%add3A_164, %add3A, %dma_start3A_185] : memref<200x32x4096xf32, #tpu.memory_space<hbm>> -> memref<1x1x4096xf32, #tpu.memory_space<hbm>>
        %dma_start3A_187 = tpu.memref_squeeze %dma_start3A_186 : memref<1x1x4096xf32, #tpu.memory_space<hbm>> -> memref<4096xf32, #tpu.memory_space<hbm>>
        tpu.enqueue_dma source(%arg10 : memref<4096xf32, #tpu.memory_space<vmem>>) target(%dma_start3A_187 : memref<4096xf32, #tpu.memory_space<hbm>>) target_semaphore(%arg15 : memref<!tpu.dma_semaphore, #tpu.memory_space<semaphore_mem>>)
      }
      %scan3A_67 = arith.constant 2 : i32
    }
    %scan3A_28 = arith.constant 25 : i32
    %dma_wait3A = arith.constant 0 : i32
    %dma_wait3A_29 = arith.constant 0 : i32
    %dma_wait3A_30 = arith.constant 0 : i32
    %dma_wait3A_31 = tpu.memref_slice %arg4[%dma_wait3A, %dma_wait3A_29, %dma_wait3A_30] : memref<200x32x4096xf32, #tpu.memory_space<hbm>> -> memref<1x1x4096xf32, #tpu.memory_space<hbm>>
    %dma_wait3A_32 = tpu.memref_squeeze %dma_wait3A_31 : memref<1x1x4096xf32, #tpu.memory_space<hbm>> -> memref<4096xf32, #tpu.memory_space<hbm>>
    %dma_wait3A_33 = arith.constant 0 : i32
    %dma_wait3A_34 = tpu.memref_slice %arg4[%dma_wait3A, %dma_wait3A_29, %dma_wait3A_33] : memref<200x32x4096xf32, #tpu.memory_space<hbm>> -> memref<1x1x4096xf32, #tpu.memory_space<hbm>>
    %dma_wait3A_35 = tpu.memref_squeeze %dma_wait3A_34 : memref<1x1x4096xf32, #tpu.memory_space<hbm>> -> memref<4096xf32, #tpu.memory_space<hbm>>
    tpu.wait_dma2 semaphore(%arg14 : memref<!tpu.dma_semaphore, #tpu.memory_space<semaphore_mem>>) src(%arg9 : memref<4096xf32, #tpu.memory_space<vmem>>) dst(%dma_wait3A_35 : memref<4096xf32, #tpu.memory_space<hbm>>)
    %dma_wait3A_36 = arith.constant 0 : i32
    %dma_wait3A_37 = arith.constant 0 : i32
    %dma_wait3A_38 = arith.constant 0 : i32
    %dma_wait3A_39 = tpu.memref_slice %arg4[%dma_wait3A_36, %dma_wait3A_37, %dma_wait3A_38] : memref<200x32x4096xf32, #tpu.memory_space<hbm>> -> memref<1x1x4096xf32, #tpu.memory_space<hbm>>
    %dma_wait3A_40 = tpu.memref_squeeze %dma_wait3A_39 : memref<1x1x4096xf32, #tpu.memory_space<hbm>> -> memref<4096xf32, #tpu.memory_space<hbm>>
    %dma_wait3A_41 = arith.constant 0 : i32
    %dma_wait3A_42 = tpu.memref_slice %arg4[%dma_wait3A_36, %dma_wait3A_37, %dma_wait3A_41] : memref<200x32x4096xf32, #tpu.memory_space<hbm>> -> memref<1x1x4096xf32, #tpu.memory_space<hbm>>
    %dma_wait3A_43 = tpu.memref_squeeze %dma_wait3A_42 : memref<1x1x4096xf32, #tpu.memory_space<hbm>> -> memref<4096xf32, #tpu.memory_space<hbm>>
    tpu.wait_dma2 semaphore(%arg15 : memref<!tpu.dma_semaphore, #tpu.memory_space<semaphore_mem>>) src(%arg10 : memref<4096xf32, #tpu.memory_space<vmem>>) dst(%dma_wait3A_43 : memref<4096xf32, #tpu.memory_space<hbm>>)
    return
  }
}

</mosaic_0001>

<sc_bundles>
// kernel: kernel.3.cloned.1.call-start
scs
__scs_entry_jumppad:
0x0: {  	(pc) =	sbr.rel $0x88, $3  }
0x1: {  	(tag) =	ssettag $0x0;
	lr =	simm.s32 $0x1  }
0x2: {  	[smem:$0x3F9F] =	sst lr;
	_ =	strace $0xD0000000  }
0x3: {  	_ = 	snop  }
0x4: {  	_ = 	snop  }
0x5: {  	_ = 	snop  }
0x6: {  	_ = 	snop  }
0x7: {  	_ = 	snop  }
__scs_overlays_trampoline_lowered:
0x8: {  	[smem:$0x3FAE] =	sst s0  }
0x9: {  	[smem:$0x3FAF] =	sst s1  }
0xa: {  	[smem:$0x3FB0] =	sst s2  }
0xb: {  	[smem:$0x3FB1] =	sst s3  }
0xc: {  	[smem:$0x3FB2] =	sst s4  }
0xd: {  	[smem:$0x3FB3] =	sst s5  }
0xe: {  	[smem:$0x3FB4] =	sst s6  }
0xf: {  	[smem:$0x3FB5] =	sst s7  }
0x10: {  	[smem:$0x3FB6] =	sst s8  }
0x11: {  	[smem:$0x3FB7] =	sst s9;
	s0 =	simm.s32 @!p0 $0x0  }
0x12: {  	s1 =	sld [smem:$0x3F9D];
	s0 =	simm.s32 @p0 $0x1  }
0x13: {  	[smem:$0x3FB8] =	sst s0;
	s0 =	simm.s32 @!p1 $0x0  }
0x14: {  	s2 =	sld [smem:$0x3F9C];
	s0 =	simm.s32 @p1 $0x1  }
0x15: {  	[smem:$0x3FB9] =	sst s0;
	s0 =	simm.s32 @!p2 $0x0  }
0x16: {  	s3 =	sld [smem:$0x3FDB];
	s0 =	simm.s32 @p2 $0x1  }
0x17: {  	s4 =	simm.s32 $0x1BF5;
	[smem:$0x3FBB] =	sst s0  }
0x18: {  	s0 =	sld [smem:$0x3F9E];
	_ =	swait.ge [sflag:s4], $0x0  }
0x19: {  	s7 =	sld [smem:$0x3F9F]  }
0x1a: {  	s8 =	sadd.s32 $0xFFFFE003, lr  }
0x1b: {  	s9 =	sadd.s32 $0xFFFFFEF7, lr;
	s5 =	simm.s32 $0xFFFFFFFF;
	p2 =	slt.u32 s8, $0xFFFFF086  }
0x1c: {  	p1 =	slt.u32 s9, $0xF7A;
	s5 =	simm.s32 @!p2 $0x0  }
0x1d: {  	s5 =	simm.s32 @p1 $0x1;
	p0 =	seq.s32 s7, s2  }
0x1e: {  	s7 =	smul.u32 @!p0 $0xF7A, s2;
	p2 =	seq.s32 @!p0 s5, $0x0  }
0x1f: {  	s9 =	smul.u32 $0xF7A, s1;
	s8 =	simm.s32 @!p0 $0x1BF5;
	p2 =	por !p2, p0  }
0x20: {  	[sflag:s8] =	ssyncset.s32 @!p0 $0xFFFFF086;
	s6 =	sadd.s32 @!p0 s3, s7;
	s7 =	simm.s32 @!p0 $0x108  }
0x21: {  	s3 =	sadd.s32 s3, s9;
	s6 =	sadd.s32 @!p0 $0x88, s6;
	s7 =	simm.s32 @p2 $0x1082  }
0x22: {  	[simem:s7], [sflag:s8] =	dma.local @!p0 [hbm:s6], $0xF7A  }
0x23: {  	s9 =	sor.u32 $0xD0000000, s2;
	s6 =	simm.s32 $0x108;
	_ =	swait.ge @!p0 [sflag:s8], $0x0  }
0x24: {  	s3 =	sadd.s32 $0x88, s3;
	s6 =	simm.s32 @!p1 $0x1082;
	[sflag:s4] =	ssyncset.s32 $0xFFFFF086  }
0x25: {  	[simem:s6], [sflag:s4] =	dma.local [hbm:s3], $0xF7A  }
0x26: {  	[smem:$0x3F9F] =	sst s1;
	(tag) =	ssettag s2;
	_ =	strace s9  }
0x27: {  	s1 =	sld [smem:$0x3FAF]  }
0x28: {  	s2 =	sld [smem:$0x3FB0]  }
0x29: {  	s4 =	sld [smem:$0x3FB2]  }
0x2a: {  	p0 =	seq.s32 s5, $0x0;
	s5 =	sld [smem:$0x3FB3]  }
0x2b: {  	s6 =	sld [smem:$0x3FB4]  }
0x2c: {  	s7 =	sld [smem:$0x3FB5]  }
0x2d: {  	s3 =	simm.s32 $0x108;
	s8 =	sld [smem:$0x3FB6]  }
0x2e: {  	s3 =	simm.s32 @!p0 $0x1082;
	s9 =	sld [smem:$0x3FB7]  }
0x2f: {  	lr =	sadd.s32 s0, s3;
	s0 =	sld [smem:$0x3FAE]  }
0x30: {  	s3 =	sld [smem:$0x3FB1]  }
0x31: {  	[smem:$0x3FBA] =	sst s10  }
0x32: {  	s10 =	sld [smem:$0x3FB8];
	_ =	sdelay $0x3  }
0x33: {  	p0 =	seq.s32 s10, $0x1;
	s10 =	sld [smem:$0x3FBA];
	_ =	sdelay $0x3  }
0x34: {  	[smem:$0x3FBA] =	sst s10  }
0x35: {  	s10 =	sld [smem:$0x3FB9];
	_ =	sdelay $0x3  }
0x36: {  	p1 =	seq.s32 s10, $0x1;
	s10 =	sld [smem:$0x3FBA];
	_ =	sdelay $0x3  }
0x37: {  	[smem:$0x3FBA] =	sst s10  }
0x38: {  	s10 =	sld [smem:$0x3FBB]  }
0x39: {  	_ = 	snop;
	(pc) =	sbr.ind lr, $3  }
0x3a: {  	_ = 	snop  }
0x3b: {  	_ = 	snop  }
0x3c: {  	p2 =	seq.s32 s10, $0x1;
	s10 =	sld [smem:$0x3FBA]  }
0x3d: {  	_ =	shalt  }
0x3e: {  	_ =	shalt  }
0x3f: {  	_ =	shalt  }
0x40: {  	_ =	shalt  }
0x41: {  	_ =	shalt  }
0x42: {  	_ =	shalt  }
0x43: {  	_ =	shalt  }
0x44: {  	_ =	shalt  }
0x45: {  	_ =	shalt  }
0x46: {  	_ =	shalt  }
0x47: {  	_ =	shalt  }
0x48: {  	_ =	shalt  }
0x49: {  	_ =	shalt  }
0x4a: {  	_ =	shalt  }
0x4b: {  	_ =	shalt  }
0x4c: {  	_ =	shalt  }
0x4d: {  	_ =	shalt  }
0x4e: {  	_ =	shalt  }
0x4f: {  	_ =	shalt  }
0x50: {  	_ =	shalt  }
0x51: {  	_ =	shalt  }
0x52: {  	_ =	shalt  }
0x53: {  	_ =	shalt  }
0x54: {  	_ =	shalt  }
0x55: {  	_ =	shalt  }
0x56: {  	_ =	shalt  }
0x57: {  	_ =	shalt  }
0x58: {  	_ =	shalt  }
0x59: {  	_ =	shalt  }
0x5a: {  	_ =	shalt  }
0x5b: {  	_ =	shalt  }
0x5c: {  	_ =	shalt  }
0x5d: {  	_ =	shalt  }
0x5e: {  	_ =	shalt  }
0x5f: {  	_ =	shalt  }
0x60: {  	_ =	shalt  }
0x61: {  	_ =	shalt  }
0x62: {  	_ =	shalt  }
0x63: {  	_ =	shalt  }
0x64: {  	_ =	shalt  }
0x65: {  	_ =	shalt  }
0x66: {  	_ =	shalt  }
0x67: {  	_ =	shalt  }
0x68: {  	_ =	shalt  }
0x69: {  	_ =	shalt  }
0x6a: {  	_ =	shalt  }
0x6b: {  	_ =	shalt  }
0x6c: {  	_ =	shalt  }
0x6d: {  	_ =	shalt  }
0x6e: {  	_ =	shalt  }
0x6f: {  	_ =	shalt  }
0x70: {  	_ =	shalt  }
0x71: {  	_ =	shalt  }
0x72: {  	_ =	shalt  }
0x73: {  	_ =	shalt  }
0x74: {  	_ =	shalt  }
0x75: {  	_ =	shalt  }
0x76: {  	_ =	shalt  }
0x77: {  	_ =	shalt  }
0x78: {  	_ =	shalt  }
0x79: {  	_ =	shalt  }
0x7a: {  	_ =	shalt  }
0x7b: {  	_ =	shalt  }
0x7c: {  	_ =	shalt  }
0x7d: {  	_ =	shalt  }
0x7e: {  	_ =	shalt  }
0x7f: {  	_ =	shalt  }
0x80: {  	_ =	shalt  }
0x81: {  	_ =	shalt  }
0x82: {  	_ =	shalt  }
0x83: {  	_ =	shalt  }
0x84: {  	_ =	shalt  }
0x85: {  	_ =	shalt  }
0x86: {  	_ =	shalt  }
0x87: {  	_ =	shalt  }
.Lfunc_end0:
.L_simem_size_0:
called_computation_lowered:
.L_overlay_start_0:
0x88: {  	s2 =	sld [smem:$0x3FD9]  }
0x89: {  	s3 =	sld [smem:$0x3FFE];
	_ =	sdelay $0x1  }
0x8a: {  	s1 =	srdreg.scid  }
0x8b: {  	s0 =	sand.u32 $0x1, s1  }
0x8c: {  	s17 =	sshll.u32 s0, $0xA;
	s2 =	sadd.s32 s3, s2  }
0x8d: {  	s2 =	sadd.s32 s2, s17  }
0x8e: {  	[smem:$0x3FC6] =	sst s2  }
0x8f: {  	_ = 	snop  }
0x90: {  	s2 =	sld [smem:$0x3FD0];
	(tm) =	ssettm $0x1  }
0x91: {  	s18 =	sld [smem:$0x3FFB];
	_ =	sdelay $0x3  }
0x92: {  	_ =	strace s18  }
0x93: {  	s3 =	sld [smem:$0x3FFC];
	_ =	sdelay $0x3  }
0x94: {  	_ =	strace s3  }
0x95: {  	s3 =	sld [smem:$0x3FFD];
	_ =	sdelay $0x3  }
0x96: {  	_ =	strace s3  }
0x97: {  	_ =	strace $0x8FFFFFFF  }
0x98: {  	s19 =	sld [smem:$0x3FDB];
	_ =	sdelay $0x1  }
0x99: {  	s4 =	simm.s32 $_scs_section_size  }
0x9a: {  	s5 =	simm.s32 $_size__tile_overlayer_lowered;
	s6 =	simm.s32 $_tile_overlayer_lowered  }
0x9b: {  	s22 =	simm.s32 $0x1BFF;
	s21 =	sshll.u32 s6, $0x1;
	s3 =	sadd.s32 s4, s19  }
0x9c: {  	s7 =	simm.s32 $0x0;
	s20 =	sshll.u32 s5, $0x1;
	s5 =	sadd.s32 s21, s3  }
0x9d: {  	[timem:s7], [sflag:s22] =	dma.local [hbm:s5], s20  }
0x9e: {  	_ =	swait.ge [sflag:s22], s20  }
0x9f: {  	s4 =	ssub.s32 $0x0, s20;
	[sflag:s22] =	ssyncset.done $0x0  }
0xa0: {  	[sflag:s22] =	ssyncadd.s32 s4;
	_ =	sdelay $0x1  }
0xa1: {  	s23 =	simm.s32 $0x1B8B  }
0xa2: {  	_ =	swait.ge [sflag:s23], $0x1  }
0xa3: {  	[sflag:s23] =	ssyncset.done $0x0  }
0xa4: {  	s25 =	simm.s32 $0x1B8E;
	s24 =	sld [smem:$0x3FFE];
	[sflag:s23] =	ssyncadd.s32 $0xFFFFFFFF  }
0xa5: {  	s26 =	simm.s32 $execute0_lowered;
	[smem:$0x3FD2] =	sst s25  }
0xa6: {  	s5 =	sshll.u32 s26, $0x1;
	_ =	strace $0x80000046;
	[dreg:$0x1] =	wrdreg $0xFFFFFFFF  }
0xa7: {  	s28 =	simm.s32 $_size_execute0_lowered;
	s3 =	sadd.s32 s3, s5;
	[dreg:$0x0] =	wrdreg $0x0  }
0xa8: {  	s5 =	sshll.u32 s28, $0x1;
	[dreg:$0x2] =	wrdreg s3  }
0xa9: {  	[dreg:$0x3] =	wrdreg s5  }
0xaa: {  	[dreg:$0x4] =	wrdreg $0xC0  }
0xab: {  	_ =	task [dreg:s7], $0x5FFFF  }
0xac: {  	[dreg:$0x1] =	wrdreg $0xFFFFFFFF  }
0xad: {  	[dreg:$0x0] =	wrdreg $0x60  }
0xae: {  	[dreg:$0x2] =	wrdreg s24  }
0xaf: {  	[dreg:$0x3] =	wrdreg s2  }
0xb0: {  	[dreg:$0x4] =	wrdreg $0x0  }
0xb1: {  	[dreg:$0x5] =	wrdreg $0x9  }
0xb2: {  	_ =	task.clear_ibuf [dreg:s7], $0x6FFFF;
	_ =	strace $0x90000046  }
0xb3: {  	s29 =	simm.s32 $0x9;
	_ =	strace $0x80000048  }
0xb4: {  	_ =	swait.ge [sflag:s29], $0x1  }
0xb5: {  	[sflag:s29] =	ssyncadd.s32 $0xFFFFFFFF  }
0xb6: {  	_ =	strace $0x90000048  }
0xb7: {  	_ =	sfence  }
0xb8: {  	s30 =	sld [smem:$0x0];
	_ =	sdelay $0x2  }
0xb9: {  	s31 =	sshll.u32 s1, $0xD;
	s1 =	sshrl.u32 s1, $0x2  }
0xba: {  	s3 =	sand.u32 $0x4000, s31;
	s1 =	sadd.s32 s1, s30  }
0xbb: {  	s0 =	sor.u32 s3, s0;
	s1 =	sshll.u32 s1, $0x11  }
0xbc: {  	s0 =	sor.u32 s1, s0  }
0xbd: {  	s0 =	sadd.s32 $0x8F2B, s0  }
0xbe: {  	[sflag:s0] =	ssyncadd.remote.s32 $0x1  }
0xbf: {  	_ =	sfence.sel $0xFFFF  }
0xc0: {  	[dreg:$0x0] =	wrdreg $0xFFFFFFFF;
	(pc) =	sbr.abs _section_cstart, $3  }
0xc1: {  	[dreg:$0x1] =	wrdreg $0xFFFFFFFF  }
0xc2: {  	_ =	task.clear_ibuf [dreg:s7], $0x2FFFF;
	_ =	strace $0x9FFFFFFF  }
0xc3: {  	(tm) =	ssettm $0x7FFFFFFF  }
tec
execute0_lowered:
.L_overlay_start_1:
0x0: {  	(tag) =	ssettag $0x1  }
0x1: {  	s11 =	rddreg [dreg:$0x0]  }
0x2: {  	s5 =	rddreg [dreg:$0x1];
	s0 =	srdreg.scid  }
0x3: {  	s13 =	stileid.u32;
	s1 =	rddreg [dreg:$0x2]  }
0x4: {  	s2 =	simm.s32 $0x0;
	s16 =	simm.s32 $0x1BEA0;
	s17 =	simm.s32 $0x2  }
0x5: {  	s18 =	simm.s32 $0x1800;
	s19 =	simm.s32 $0x1DEA0;
	s20 =	simm.s32 $0x1EEA0  }
0x6: {  	s21 =	simm.s32 $0x4;
	s22 =	simm.s32 $0x3;
	s23 =	simm.s32 $0x5  }
0x7: {  	s24 =	simm.s32 $0x0;
	s3 =	sand.u32 $0x1, s0;
	s4 =	sshll.u32 s13, $0x1  }
0x8: {  	[smem:$0x7FF] =	sst s2;
	s14 =	sadd.s32 $0x8000, s1;
	s10 =	sadd.s32 $0x21400, s11  }
0x9: {  	p0 =	sne.s32 s13, $0x0;
	s8 =	sor.u32 s3, s4;
	s6 =	ssub.s32 $0x2, s3  }
0xa: {  	_ =	strace $0x80000047;
	s3 =	sadd.s32 $0x400, s11;
	s4 =	sadd.s32 $0x19400, s11  }
0xb: {  	s13 =	sshrl.u32 @!p0 s1, $0x3;
	s14 =	sshrl.u32 @!p0 s14, $0x3;
	s9 =	sshrl.u32 s6, $0x1  }
0xc: {  	s7 =	smul.u32 $0x30D4, s8;
	s8 =	sshll.u32 s8, $0x9;
	s12 =	ssub.s32 s6, s9  }
0xd: {  	s6 =	sadd.s32 $0x1400, s11;
	s9 =	sadd.s32 $0x1D400, s11;
	s11 =	sadd.s32 $0x25400, s11  }
0xe: {  	s5 =	sadd.s32 s5, s7;
	s7 =	sadd.s32 $0x2000, s1;
	s12 =	smax.u32 s12, $0x1  }
.LBB2_1:
0xf: {  	s25 =	simm.s32 @p0 $0x0;
	s26 =	simm.s32 @p0 $0x1800  }
0x10: {  	[tilespmem:s26], [sflag:$0x6] =	stream.linear.gather @p0 [hbm4b:s5+s25], $0x186A0, $0x38;
	[tilespmem:$0x1FEA0] =	vst v63  }
0x11: {  	s25 =	simm.s32 @p0 $0x6  }
0x12: {  	_ =	swait.ge @p0 [sflag:s25], $0x186A0  }
0x13: {  	s28 =	simm.s32 @!p0 $0x1800;
	[sflag:s25] =	ssyncset.done @p0 $0x0  }
0x14: {  	s26 =	simm.s32 @!p0 $0x0;
	[sflag:s25] =	ssyncadd.s32 @p0 $0xFFFE7960;
	s25 =	simm.s32 @!p0 $0x1C01  }
0x15: {  	[spmem:s13], [sflag:s25] =	dma.local @!p0 [hbm:s3], $0x1000  }
0x16: {  	[tilespmem:s28], [sflag:$0x6] =	stream.linear.gather @!p0 [hbm4b:s5+s26], $0x186A0, $0x38;
	[tilespmem:$0x1FEA0] =	vst v63  }
0x17: {  	s26 =	simm.s32 @!p0 $0x6  }
0x18: {  	_ =	swait.ge @!p0 [sflag:s26], $0x186A0  }
0x19: {  	[sflag:s26] =	ssyncset.done @!p0 $0x0  }
0x1a: {  	[sflag:s26] =	ssyncadd.s32 @!p0 $0xFFFE7960;
	s26 =	simm.s32 @!p0 $0x1  }
0x1b: {  	_ =	swait.ge @!p0 [sflag:s26], $0x1000  }
0x1c: {  	[sflag:s26] =	ssyncset.done @!p0 $0x0  }
0x1d: {  	[sflag:s26] =	ssyncadd.s32 @!p0 $0xFFFFF000  }
0x1e: {  	[spmem:s14], [sflag:s25] =	dma.local @!p0 [hbm:s6], $0x1000  }
0x1f: {  	s0 =	simm.s32 $0x19EA0;
	[bflag:$0x0] =	sbarrier.arrive $0xFFFF  }
0x20: {  	[tilespmem:s0], [sflag:$0x2] =	stream.linear.gather [spmem:s1], $0x2000, $0x38;
	[tilespmem:$0x1FEA0] =	vst v63  }
0x21: {  	s25 =	simm.s32 $0x0  }
0x22: {  	[tilespmem:s16], [sflag:$0x3] =	stream.linear.gather [spmem:s7], $0x2000, $0x38;
	[tilespmem:$0x1FEA0] =	vst v63  }
.LBB2_3:
0x23: {  	p1 =	sgt.u32 @!p0 s25, $0x16  }
0x24: {  	p1 =	por p1, p0  }
0x25: {  	s26 =	smov.u32 s25;
	s25 =	sadd.s32 @!p1 $0x2, s25  }
0x26: {  	s28 =	smul.u32 @!p1 $0xAB, s25;
	_ =	sdelay $0x1  }
0x27: {  	s28 =	sshrl.u32 @!p1 s28, $0x9  }
0x28: {  	p2 =	seq.s32 @!p0 s26, $0x18;
	s28 =	sand.u32 @!p1 $0x7F, s28  }
0x29: {  	p2 =	por p2, p0;
	s28 =	smul.u32 @!p1 $0x3, s28  }
0x2a: {  	s29 =	simm.s32 @!p2 $0x1  }
0x2b: {  	_ =	swait.ge @!p2 [sflag:s29], $0x1000;
	s28 =	ssub.s32 @!p1 s25, s28  }
0x2c: {  	[sflag:s29] =	ssyncset.done @!p2 $0x0;
	s28 =	sand.u32 @!p1 $0xFF, s28  }
0x2d: {  	p3 =	por $0x1, $0x1;
	[sflag:s29] =	ssyncadd.s32 @!p2 $0xFFFFF000;
	s28 =	sshll.u32 @!p1 s28, $0xF  }
0x2e: {  	s29 =	simm.s32 @!p1 $0x1C01;
	s25 =	sshll.u32 @!p1 s25, $0xC;
	s28 =	sadd.s32 @!p1 s28, s1  }
0x2f: {  	[bflag:$0x0] =	sbarrier.arrive $0xFFFF;
	s25 =	sadd.s32 @!p1 s3, s25;
	s28 =	sshrl.u32 @!p1 s28, $0x3  }
0x30: {  	[spmem:s28], [sflag:s29] =	dma.local @!p1 [hbm:s25], $0x1000  }
0x31: {  	s25 =	sadd.s32 $0x1, s26;
	s26 =	sshll.u32 s26, $0x3;
	s28 =	simm.s32 $0x0  }
.LBB2_4:
0x32: {  	s28 =	sor.u32 s26, s28  }
0x33: {  	p2 =	seq.s32 s28, $0x0  }
0x34: {  	s29 =	simm.s32 @!p2 $0x4  }
0x35: {  	_ =	swait.ge @!p2 [sflag:s29], $0x1000  }
0x36: {  	[sflag:s29] =	ssyncset.done @!p2 $0x0  }
0x37: {  	[sflag:s29] =	ssyncadd.s32 @!p2 $0xFFFFF000  }
0x38: {  	_ =	swait.ge [sflag:s17], $0x2000  }
0x39: {  	[sflag:s17] =	ssyncset.done $0x0  }
0x3a: {  	s30 =	simm.s32 $0x0;
	[sflag:s17] =	ssyncadd.s32 $0xFFFFE000  }
0x3b: {  	v14 =	vld [tilespmem:s30+$0x19EA0]  }
0x3c: {  	v0 =	vld [tilespmem:s30+$0x19EB0]  }
0x3d: {  	v1 =	vld [tilespmem:s30+$0x19EC0]  }
0x3e: {  	v2 =	vld [tilespmem:s30+$0x19ED0]  }
0x3f: {  	v3 =	vld [tilespmem:s30+$0x19EE0]  }
0x40: {  	v4 =	vld [tilespmem:s30+$0x19EF0]  }
0x41: {  	v5 =	vld [tilespmem:s30+$0x19F00]  }
0x42: {  	v7 =	vld [tilespmem:s30+$0x19F10]  }
0x43: {  	v9 =	vld [tilespmem:s30+$0x19F20]  }
0x44: {  	v6 =	vld [tilespmem:s30+$0x19F30]  }
0x45: {  	v8 =	vld [tilespmem:s30+$0x19F40]  }
0x46: {  	v10 =	vld [tilespmem:s30+$0x19F50]  }
0x47: {  	v11 =	vld [tilespmem:s30+$0x19F60]  }
0x48: {  	v12 =	vld [tilespmem:s30+$0x19F70]  }
0x49: {  	v13 =	vld [tilespmem:s30+$0x19F80]  }
0x4a: {  	v15 =	vld [tilespmem:s30+$0x19F90]  }
0x4b: {  	p1 =	por p3, p3;
	s29 =	simm.s32 $0x400;
	v14 =	vld.idx.msk [tilespmem:v14+s18+$0x0], $0xffff  }
.LBB2_5:
0x4c: {  	p3 =	sne.s32 s29, $0x3C00;
	v16 =	vld.idx.msk [tilespmem:v0+s18+$0x0], $0xffff  }
0x4d: {  	v17 =	vld.idx.msk [tilespmem:v1+s18+$0x0], $0xffff  }
0x4e: {  	v18 =	vld.idx.msk [tilespmem:v2+s18+$0x0], $0xffff  }
0x4f: {  	v19 =	vld.idx.msk [tilespmem:v3+s18+$0x0], $0xffff  }
0x50: {  	v20 =	vld.idx.msk [tilespmem:v4+s18+$0x0], $0xffff  }
0x51: {  	v21 =	vld.idx.msk [tilespmem:v5+s18+$0x0], $0xffff  }
0x52: {  	v22 =	vld.idx.msk [tilespmem:v7+s18+$0x0], $0xffff  }
0x53: {  	v23 =	vld.idx.msk [tilespmem:v9+s18+$0x0], $0xffff  }
0x54: {  	v0 =	vld.idx.msk [tilespmem:v15+s18+$0x0], $0xffff  }
0x55: {  	v15 =	vld.idx.msk [tilespmem:v6+s18+$0x0], $0xffff  }
0x56: {  	v24 =	vld.idx.msk [tilespmem:v8+s18+$0x0], $0xffff  }
0x57: {  	v25 =	vld.idx.msk [tilespmem:v10+s18+$0x0], $0xffff  }
0x58: {  	v26 =	vld.idx.msk [tilespmem:v11+s18+$0x0], $0xffff  }
0x59: {  	v27 =	vld.idx.msk [tilespmem:v12+s18+$0x0], $0xffff  }
0x5a: {  	s31 =	sshra.s32 s29, $0x2;
	v28 =	vld.idx.msk [tilespmem:v13+s18+$0x0], $0xffff;
	[tilespmem:s30+$0x1DF90] =	vst v0  }
0x5b: {  	v29 =	vld [tilespmem:s31+$0x19EA0];
	[tilespmem:s30+$0x1DEA0] =	vst v14  }
0x5c: {  	v0 =	vld [tilespmem:s31+$0x19EB0];
	[tilespmem:s30+$0x1DEB0] =	vst v16  }
0x5d: {  	v1 =	vld [tilespmem:s31+$0x19EC0];
	[tilespmem:s30+$0x1DEC0] =	vst v17  }
0x5e: {  	v2 =	vld [tilespmem:s31+$0x19ED0];
	[tilespmem:s30+$0x1DED0] =	vst v18  }
0x5f: {  	v3 =	vld [tilespmem:s31+$0x19EE0];
	[tilespmem:s30+$0x1DEE0] =	vst v19  }
0x60: {  	v4 =	vld [tilespmem:s31+$0x19EF0];
	[tilespmem:s30+$0x1DEF0] =	vst v20  }
0x61: {  	v5 =	vld [tilespmem:s31+$0x19F00];
	[tilespmem:s30+$0x1DF00] =	vst v21  }
0x62: {  	v7 =	vld [tilespmem:s31+$0x19F10];
	[tilespmem:s30+$0x1DF10] =	vst v22  }
0x63: {  	v9 =	vld [tilespmem:s31+$0x19F20];
	[tilespmem:s30+$0x1DF20] =	vst v23  }
0x64: {  	v6 =	vld [tilespmem:s31+$0x19F30];
	[tilespmem:s30+$0x1DF30] =	vst v15  }
0x65: {  	v8 =	vld [tilespmem:s31+$0x19F40];
	[tilespmem:s30+$0x1DF40] =	vst v24  }
0x66: {  	v10 =	vld [tilespmem:s31+$0x19F50];
	[tilespmem:s30+$0x1DF50] =	vst v25  }
.Ltmp0:
0x67: {  	v11 =	vld [tilespmem:s31+$0x19F60];
	[tilespmem:s30+$0x1DF60] =	vst v26;
	(pc) =	sbr.rel @p3 .LBB2_5-.Ltmp0, $4  }
0x68: {  	v12 =	vld [tilespmem:s31+$0x19F70];
	[tilespmem:s30+$0x1DF70] =	vst v27  }
0x69: {  	v13 =	vld [tilespmem:s31+$0x19F80];
	[tilespmem:s30+$0x1DF80] =	vst v28;
	s30 =	smov.u32 s31  }
0x6a: {  	v15 =	vld [tilespmem:s30+$0x19F90]  }
0x6b: {  	s29 =	sadd.s32 $0x400, s29;
	v14 =	vld.idx.msk [tilespmem:v29+s18+$0x0], $0xffff  }
0x6c: {  	_ =	sdelay $0x3  }
0x6d: {  	v0 =	vld.idx.msk [tilespmem:v0+s18+$0x0], $0xffff  }
0x6e: {  	v1 =	vld.idx.msk [tilespmem:v1+s18+$0x0], $0xffff  }
0x6f: {  	v2 =	vld.idx.msk [tilespmem:v2+s18+$0x0], $0xffff  }
0x70: {  	v3 =	vld.idx.msk [tilespmem:v3+s18+$0x0], $0xffff  }
0x71: {  	v4 =	vld.idx.msk [tilespmem:v4+s18+$0x0], $0xffff  }
0x72: {  	v5 =	vld.idx.msk [tilespmem:v5+s18+$0x0], $0xffff  }
0x73: {  	v7 =	vld.idx.msk [tilespmem:v7+s18+$0x0], $0xffff  }
0x74: {  	v9 =	vld.idx.msk [tilespmem:v9+s18+$0x0], $0xffff  }
0x75: {  	v6 =	vld.idx.msk [tilespmem:v6+s18+$0x0], $0xffff  }
0x76: {  	v8 =	vld.idx.msk [tilespmem:v8+s18+$0x0], $0xffff  }
0x77: {  	v10 =	vld.idx.msk [tilespmem:v10+s18+$0x0], $0xffff  }
0x78: {  	v11 =	vld.idx.msk [tilespmem:v11+s18+$0x0], $0xffff  }
0x79: {  	v12 =	vld.idx.msk [tilespmem:v12+s18+$0x0], $0xffff  }
0x7a: {  	v13 =	vld.idx.msk [tilespmem:v13+s18+$0x0], $0xffff  }
0x7b: {  	v15 =	vld.idx.msk [tilespmem:v15+s18+$0x0], $0xffff;
	[tilespmem:s30+$0x1DEA0] =	vst v14  }
0x7c: {  	[tilespmem:s30+$0x1DEB0] =	vst v0  }
0x7d: {  	[tilespmem:s30+$0x1DEC0] =	vst v1  }
0x7e: {  	[tilespmem:s30+$0x1DED0] =	vst v2  }
0x7f: {  	[tilespmem:s30+$0x1DEE0] =	vst v3  }
0x80: {  	[tilespmem:s30+$0x1DEF0] =	vst v4  }
0x81: {  	[tilespmem:s30+$0x1DF00] =	vst v5  }
0x82: {  	[tilespmem:s30+$0x1DF10] =	vst v7  }
0x83: {  	[tilespmem:s30+$0x1DF20] =	vst v9  }
0x84: {  	[tilespmem:s30+$0x1DF30] =	vst v6  }
0x85: {  	[tilespmem:s30+$0x1DF40] =	vst v8  }
0x86: {  	[tilespmem:s30+$0x1DF50] =	vst v10  }
0x87: {  	[tilespmem:s30+$0x1DF60] =	vst v11  }
0x88: {  	s29 =	sshll.u32 s28, $0xE;
	[tilespmem:s30+$0x1DF70] =	vst v12  }
0x89: {  	s29 =	sor.u32 s8, s29;
	[tilespmem:s30+$0x1DF80] =	vst v13  }
0x8a: {  	[tilespmem:s30+$0x1DF90] =	vst v15;
	s30 =	sadd.s32 s4, s29  }
0x8b: {  	[hbm4b:s30+s2] =	stream.linear.scatter [tilespmem:s19], [sflag:$0x4], $0x1000, $0x38;
	[tilespmem:$0x1FEA0] =	vst v63  }
0x8c: {  	s30 =	simm.s32 @!p2 $0x5  }
0x8d: {  	_ =	swait.ge @!p2 [sflag:s30], $0x1000  }
0x8e: {  	[sflag:s30] =	ssyncset.done @!p2 $0x0  }
0x8f: {  	[sflag:s30] =	ssyncadd.s32 @!p2 $0xFFFFF000;
	s30 =	simm.s32 $0x0  }
0x90: {  	v14 =	vld [tilespmem:s30+$0x1AEA0]  }
0x91: {  	v0 =	vld [tilespmem:s30+$0x1AEB0]  }
0x92: {  	v1 =	vld [tilespmem:s30+$0x1AEC0]  }
0x93: {  	v2 =	vld [tilespmem:s30+$0x1AED0]  }
0x94: {  	v3 =	vld [tilespmem:s30+$0x1AEE0]  }
0x95: {  	v4 =	vld [tilespmem:s30+$0x1AEF0]  }
0x96: {  	v5 =	vld [tilespmem:s30+$0x1AF00]  }
0x97: {  	v7 =	vld [tilespmem:s30+$0x1AF10]  }
0x98: {  	v9 =	vld [tilespmem:s30+$0x1AF20]  }
0x99: {  	v6 =	vld [tilespmem:s30+$0x1AF30]  }
0x9a: {  	v8 =	vld [tilespmem:s30+$0x1AF40]  }
0x9b: {  	v10 =	vld [tilespmem:s30+$0x1AF50]  }
0x9c: {  	v11 =	vld [tilespmem:s30+$0x1AF60]  }
0x9d: {  	v12 =	vld [tilespmem:s30+$0x1AF70]  }
0x9e: {  	v13 =	vld [tilespmem:s30+$0x1AF80]  }
0x9f: {  	v15 =	vld [tilespmem:s30+$0x1AF90]  }
0xa0: {  	s31 =	simm.s32 $0x400;
	v14 =	vld.idx.msk [tilespmem:v14+s18+$0x0], $0xffff  }
.LBB2_7:
0xa1: {  	p2 =	sne.s32 s31, $0x3C00;
	v16 =	vld.idx.msk [tilespmem:v0+s18+$0x0], $0xffff  }
0xa2: {  	v17 =	vld.idx.msk [tilespmem:v1+s18+$0x0], $0xffff  }
0xa3: {  	v18 =	vld.idx.msk [tilespmem:v2+s18+$0x0], $0xffff  }
0xa4: {  	v19 =	vld.idx.msk [tilespmem:v3+s18+$0x0], $0xffff  }
0xa5: {  	v20 =	vld.idx.msk [tilespmem:v4+s18+$0x0], $0xffff  }
0xa6: {  	v21 =	vld.idx.msk [tilespmem:v5+s18+$0x0], $0xffff  }
0xa7: {  	v22 =	vld.idx.msk [tilespmem:v7+s18+$0x0], $0xffff  }
0xa8: {  	v23 =	vld.idx.msk [tilespmem:v9+s18+$0x0], $0xffff  }
0xa9: {  	v0 =	vld.idx.msk [tilespmem:v15+s18+$0x0], $0xffff  }
0xaa: {  	v15 =	vld.idx.msk [tilespmem:v6+s18+$0x0], $0xffff  }
0xab: {  	v24 =	vld.idx.msk [tilespmem:v8+s18+$0x0], $0xffff  }
0xac: {  	v25 =	vld.idx.msk [tilespmem:v10+s18+$0x0], $0xffff  }
0xad: {  	v26 =	vld.idx.msk [tilespmem:v11+s18+$0x0], $0xffff  }
0xae: {  	v27 =	vld.idx.msk [tilespmem:v12+s18+$0x0], $0xffff  }
0xaf: {  	s0 =	sshra.s32 s31, $0x2;
	v28 =	vld.idx.msk [tilespmem:v13+s18+$0x0], $0xffff;
	[tilespmem:s30+$0x1EF90] =	vst v0  }
0xb0: {  	v29 =	vld [tilespmem:s0+$0x1AEA0];
	[tilespmem:s30+$0x1EEA0] =	vst v14  }
0xb1: {  	v0 =	vld [tilespmem:s0+$0x1AEB0];
	[tilespmem:s30+$0x1EEB0] =	vst v16  }
0xb2: {  	v1 =	vld [tilespmem:s0+$0x1AEC0];
	[tilespmem:s30+$0x1EEC0] =	vst v17  }
0xb3: {  	v2 =	vld [tilespmem:s0+$0x1AED0];
	[tilespmem:s30+$0x1EED0] =	vst v18  }
0xb4: {  	v3 =	vld [tilespmem:s0+$0x1AEE0];
	[tilespmem:s30+$0x1EEE0] =	vst v19  }
0xb5: {  	v4 =	vld [tilespmem:s0+$0x1AEF0];
	[tilespmem:s30+$0x1EEF0] =	vst v20  }
0xb6: {  	v5 =	vld [tilespmem:s0+$0x1AF00];
	[tilespmem:s30+$0x1EF00] =	vst v21  }
0xb7: {  	v7 =	vld [tilespmem:s0+$0x1AF10];
	[tilespmem:s30+$0x1EF10] =	vst v22  }
0xb8: {  	v9 =	vld [tilespmem:s0+$0x1AF20];
	[tilespmem:s30+$0x1EF20] =	vst v23  }
0xb9: {  	v6 =	vld [tilespmem:s0+$0x1AF30];
	[tilespmem:s30+$0x1EF30] =	vst v15  }
0xba: {  	v8 =	vld [tilespmem:s0+$0x1AF40];
	[tilespmem:s30+$0x1EF40] =	vst v24  }
0xbb: {  	v10 =	vld [tilespmem:s0+$0x1AF50];
	[tilespmem:s30+$0x1EF50] =	vst v25  }
.Ltmp1:
0xbc: {  	v11 =	vld [tilespmem:s0+$0x1AF60];
	[tilespmem:s30+$0x1EF60] =	vst v26;
	(pc) =	sbr.rel @p2 .LBB2_7-.Ltmp1, $4  }
0xbd: {  	v12 =	vld [tilespmem:s0+$0x1AF70];
	[tilespmem:s30+$0x1EF70] =	vst v27  }
0xbe: {  	v13 =	vld [tilespmem:s0+$0x1AF80];
	[tilespmem:s30+$0x1EF80] =	vst v28;
	s30 =	smov.u32 s0  }
0xbf: {  	v15 =	vld [tilespmem:s30+$0x1AF90]  }
0xc0: {  	s31 =	sadd.s32 $0x400, s31;
	v14 =	vld.idx.msk [tilespmem:v29+s18+$0x0], $0xffff  }
0xc1: {  	_ =	sdelay $0x3  }
0xc2: {  	v0 =	vld.idx.msk [tilespmem:v0+s18+$0x0], $0xffff  }
0xc3: {  	v1 =	vld.idx.msk [tilespmem:v1+s18+$0x0], $0xffff  }
0xc4: {  	v2 =	vld.idx.msk [tilespmem:v2+s18+$0x0], $0xffff  }
0xc5: {  	v3 =	vld.idx.msk [tilespmem:v3+s18+$0x0], $0xffff  }
0xc6: {  	v4 =	vld.idx.msk [tilespmem:v4+s18+$0x0], $0xffff  }
0xc7: {  	v5 =	vld.idx.msk [tilespmem:v5+s18+$0x0], $0xffff  }
0xc8: {  	v7 =	vld.idx.msk [tilespmem:v7+s18+$0x0], $0xffff  }
0xc9: {  	v9 =	vld.idx.msk [tilespmem:v9+s18+$0x0], $0xffff  }
0xca: {  	v6 =	vld.idx.msk [tilespmem:v6+s18+$0x0], $0xffff  }
0xcb: {  	v8 =	vld.idx.msk [tilespmem:v8+s18+$0x0], $0xffff  }
0xcc: {  	v10 =	vld.idx.msk [tilespmem:v10+s18+$0x0], $0xffff  }
0xcd: {  	v11 =	vld.idx.msk [tilespmem:v11+s18+$0x0], $0xffff  }
0xce: {  	v12 =	vld.idx.msk [tilespmem:v12+s18+$0x0], $0xffff  }
0xcf: {  	v13 =	vld.idx.msk [tilespmem:v13+s18+$0x0], $0xffff  }
0xd0: {  	v15 =	vld.idx.msk [tilespmem:v15+s18+$0x0], $0xffff;
	[tilespmem:s30+$0x1EEA0] =	vst v14  }
0xd1: {  	[tilespmem:s30+$0x1EEB0] =	vst v0  }
0xd2: {  	p2 =	sgt.u32 s28, $0xC3;
	[tilespmem:s30+$0x1EEC0] =	vst v1  }
0xd3: {  	s0 =	sadd.s32 @!p2 $0x4, s28;
	[tilespmem:s30+$0x1EED0] =	vst v2  }
0xd4: {  	s31 =	sshrl.u32 @!p2 s0, $0x3;
	[tilespmem:s30+$0x1EEE0] =	vst v3  }
0xd5: {  	s15 =	smul.u32 @!p2 $0xAB, s31;
	[tilespmem:s30+$0x1EEF0] =	vst v4  }
0xd6: {  	[tilespmem:s30+$0x1EF00] =	vst v5  }
0xd7: {  	s15 =	sshrl.u32 @!p2 s15, $0x9;
	[tilespmem:s30+$0x1EF10] =	vst v7  }
0xd8: {  	[tilespmem:s30+$0x1EF20] =	vst v9;
	s15 =	sand.u32 @!p2 $0x7F, s15  }
0xd9: {  	[tilespmem:s30+$0x1EF30] =	vst v6;
	s15 =	smul.u32 @!p2 $0x3, s15  }
0xda: {  	[tilespmem:s30+$0x1EF40] =	vst v8  }
0xdb: {  	[tilespmem:s30+$0x1EF50] =	vst v10;
	s15 =	ssub.s32 @!p2 s31, s15  }
0xdc: {  	[tilespmem:s30+$0x1EF60] =	vst v11;
	s15 =	sand.u32 @!p2 $0xFF, s15  }
0xdd: {  	s0 =	sshll.u32 @!p2 s0, $0xC;
	[tilespmem:s30+$0x1EF70] =	vst v12;
	s15 =	sshll.u32 @!p2 s15, $0xF  }
0xde: {  	s0 =	sand.u32 @!p2 $0x4000, s0;
	[tilespmem:s30+$0x1EF80] =	vst v13;
	s15 =	sadd.s32 @!p2 s15, s1  }
0xdf: {  	[tilespmem:s30+$0x1EF90] =	vst v15;
	s0 =	sadd.s32 @!p2 s0, s15;
	s15 =	simm.s32 @!p2 $0x19EA0  }
0xe0: {  	[tilespmem:s15], [sflag:$0x2] =	stream.linear.gather @!p2 [spmem:s0], $0x2000, $0x38;
	[tilespmem:$0x1FEA0] =	vst v63  }
0xe1: {  	s0 =	sadd.s32 s29, s9;
	s15 =	simm.s32 $0x0  }
0xe2: {  	[hbm4b:s0+s15] =	stream.linear.scatter [tilespmem:s20], [sflag:$0x5], $0x1000, $0x38;
	[tilespmem:$0x1FEA0] =	vst v63  }
0xe3: {  	_ =	swait.ge [sflag:s21], $0x1000  }
0xe4: {  	[sflag:s21] =	ssyncset.done $0x0  }
0xe5: {  	[sflag:s21] =	ssyncadd.s32 $0xFFFFF000  }
0xe6: {  	_ =	swait.ge [sflag:s22], $0x2000  }
0xe7: {  	[sflag:s22] =	ssyncset.done $0x0  }
0xe8: {  	s30 =	simm.s32 $0x0;
	[sflag:s22] =	ssyncadd.s32 $0xFFFFE000  }
0xe9: {  	v14 =	vld [tilespmem:s30+$0x1BEA0]  }
0xea: {  	v0 =	vld [tilespmem:s30+$0x1BEB0]  }
0xeb: {  	v1 =	vld [tilespmem:s30+$0x1BEC0]  }
0xec: {  	v2 =	vld [tilespmem:s30+$0x1BED0]  }
0xed: {  	v3 =	vld [tilespmem:s30+$0x1BEE0]  }
0xee: {  	v4 =	vld [tilespmem:s30+$0x1BEF0]  }
0xef: {  	v5 =	vld [tilespmem:s30+$0x1BF00]  }
0xf0: {  	v7 =	vld [tilespmem:s30+$0x1BF10]  }
0xf1: {  	v9 =	vld [tilespmem:s30+$0x1BF20]  }
0xf2: {  	v6 =	vld [tilespmem:s30+$0x1BF30]  }
0xf3: {  	v8 =	vld [tilespmem:s30+$0x1BF40]  }
0xf4: {  	v10 =	vld [tilespmem:s30+$0x1BF50]  }
0xf5: {  	v11 =	vld [tilespmem:s30+$0x1BF60]  }
0xf6: {  	v12 =	vld [tilespmem:s30+$0x1BF70]  }
0xf7: {  	v13 =	vld [tilespmem:s30+$0x1BF80]  }
0xf8: {  	v15 =	vld [tilespmem:s30+$0x1BF90]  }
0xf9: {  	s31 =	simm.s32 $0x400;
	v14 =	vld.idx.msk [tilespmem:v14+s18+$0x0], $0xffff  }
.LBB2_9:
0xfa: {  	p3 =	sne.s32 s31, $0x3C00;
	v16 =	vld.idx.msk [tilespmem:v0+s18+$0x0], $0xffff  }
0xfb: {  	v17 =	vld.idx.msk [tilespmem:v1+s18+$0x0], $0xffff  }
0xfc: {  	v18 =	vld.idx.msk [tilespmem:v2+s18+$0x0], $0xffff  }
0xfd: {  	v19 =	vld.idx.msk [tilespmem:v3+s18+$0x0], $0xffff  }
0xfe: {  	v20 =	vld.idx.msk [tilespmem:v4+s18+$0x0], $0xffff  }
0xff: {  	v21 =	vld.idx.msk [tilespmem:v5+s18+$0x0], $0xffff  }
0x100: {  	v22 =	vld.idx.msk [tilespmem:v7+s18+$0x0], $0xffff  }
0x101: {  	v23 =	vld.idx.msk [tilespmem:v9+s18+$0x0], $0xffff  }
0x102: {  	v0 =	vld.idx.msk [tilespmem:v15+s18+$0x0], $0xffff  }
0x103: {  	v15 =	vld.idx.msk [tilespmem:v6+s18+$0x0], $0xffff  }
0x104: {  	v24 =	vld.idx.msk [tilespmem:v8+s18+$0x0], $0xffff  }
0x105: {  	v25 =	vld.idx.msk [tilespmem:v10+s18+$0x0], $0xffff  }
0x106: {  	v26 =	vld.idx.msk [tilespmem:v11+s18+$0x0], $0xffff  }
0x107: {  	v27 =	vld.idx.msk [tilespmem:v12+s18+$0x0], $0xffff  }
0x108: {  	s0 =	sshra.s32 s31, $0x2;
	v28 =	vld.idx.msk [tilespmem:v13+s18+$0x0], $0xffff;
	[tilespmem:s30+$0x1DF90] =	vst v0  }
0x109: {  	v29 =	vld [tilespmem:s0+$0x1BEA0];
	[tilespmem:s30+$0x1DEA0] =	vst v14  }
0x10a: {  	v0 =	vld [tilespmem:s0+$0x1BEB0];
	[tilespmem:s30+$0x1DEB0] =	vst v16  }
0x10b: {  	v1 =	vld [tilespmem:s0+$0x1BEC0];
	[tilespmem:s30+$0x1DEC0] =	vst v17  }
0x10c: {  	v2 =	vld [tilespmem:s0+$0x1BED0];
	[tilespmem:s30+$0x1DED0] =	vst v18  }
0x10d: {  	v3 =	vld [tilespmem:s0+$0x1BEE0];
	[tilespmem:s30+$0x1DEE0] =	vst v19  }
0x10e: {  	v4 =	vld [tilespmem:s0+$0x1BEF0];
	[tilespmem:s30+$0x1DEF0] =	vst v20  }
0x10f: {  	v5 =	vld [tilespmem:s0+$0x1BF00];
	[tilespmem:s30+$0x1DF00] =	vst v21  }
0x110: {  	v7 =	vld [tilespmem:s0+$0x1BF10];
	[tilespmem:s30+$0x1DF10] =	vst v22  }
0x111: {  	v9 =	vld [tilespmem:s0+$0x1BF20];
	[tilespmem:s30+$0x1DF20] =	vst v23  }
0x112: {  	v6 =	vld [tilespmem:s0+$0x1BF30];
	[tilespmem:s30+$0x1DF30] =	vst v15  }
0x113: {  	v8 =	vld [tilespmem:s0+$0x1BF40];
	[tilespmem:s30+$0x1DF40] =	vst v24  }
0x114: {  	v10 =	vld [tilespmem:s0+$0x1BF50];
	[tilespmem:s30+$0x1DF50] =	vst v25  }
.Ltmp2:
0x115: {  	v11 =	vld [tilespmem:s0+$0x1BF60];
	[tilespmem:s30+$0x1DF60] =	vst v26;
	(pc) =	sbr.rel @p3 .LBB2_9-.Ltmp2, $4  }
0x116: {  	v12 =	vld [tilespmem:s0+$0x1BF70];
	[tilespmem:s30+$0x1DF70] =	vst v27  }
0x117: {  	v13 =	vld [tilespmem:s0+$0x1BF80];
	[tilespmem:s30+$0x1DF80] =	vst v28;
	s30 =	smov.u32 s0  }
0x118: {  	v15 =	vld [tilespmem:s30+$0x1BF90]  }
0x119: {  	s31 =	sadd.s32 $0x400, s31;
	v14 =	vld.idx.msk [tilespmem:v29+s18+$0x0], $0xffff  }
0x11a: {  	_ =	sdelay $0x3  }
0x11b: {  	v0 =	vld.idx.msk [tilespmem:v0+s18+$0x0], $0xffff  }
0x11c: {  	v1 =	vld.idx.msk [tilespmem:v1+s18+$0x0], $0xffff  }
0x11d: {  	v2 =	vld.idx.msk [tilespmem:v2+s18+$0x0], $0xffff  }
0x11e: {  	v3 =	vld.idx.msk [tilespmem:v3+s18+$0x0], $0xffff  }
0x11f: {  	v4 =	vld.idx.msk [tilespmem:v4+s18+$0x0], $0xffff  }
0x120: {  	v5 =	vld.idx.msk [tilespmem:v5+s18+$0x0], $0xffff  }
0x121: {  	v7 =	vld.idx.msk [tilespmem:v7+s18+$0x0], $0xffff  }
0x122: {  	v9 =	vld.idx.msk [tilespmem:v9+s18+$0x0], $0xffff  }
0x123: {  	v6 =	vld.idx.msk [tilespmem:v6+s18+$0x0], $0xffff  }
0x124: {  	v8 =	vld.idx.msk [tilespmem:v8+s18+$0x0], $0xffff  }
0x125: {  	v10 =	vld.idx.msk [tilespmem:v10+s18+$0x0], $0xffff  }
0x126: {  	v11 =	vld.idx.msk [tilespmem:v11+s18+$0x0], $0xffff  }
0x127: {  	v12 =	vld.idx.msk [tilespmem:v12+s18+$0x0], $0xffff  }
0x128: {  	v13 =	vld.idx.msk [tilespmem:v13+s18+$0x0], $0xffff  }
0x129: {  	v15 =	vld.idx.msk [tilespmem:v15+s18+$0x0], $0xffff;
	[tilespmem:s30+$0x1DEA0] =	vst v14  }
0x12a: {  	[tilespmem:s30+$0x1DEB0] =	vst v0  }
0x12b: {  	[tilespmem:s30+$0x1DEC0] =	vst v1  }
0x12c: {  	[tilespmem:s30+$0x1DED0] =	vst v2  }
0x12d: {  	[tilespmem:s30+$0x1DEE0] =	vst v3  }
0x12e: {  	[tilespmem:s30+$0x1DEF0] =	vst v4  }
0x12f: {  	[tilespmem:s30+$0x1DF00] =	vst v5  }
0x130: {  	[tilespmem:s30+$0x1DF10] =	vst v7  }
0x131: {  	[tilespmem:s30+$0x1DF20] =	vst v9  }
0x132: {  	[tilespmem:s30+$0x1DF30] =	vst v6  }
0x133: {  	[tilespmem:s30+$0x1DF40] =	vst v8  }
0x134: {  	[tilespmem:s30+$0x1DF50] =	vst v10  }
0x135: {  	[tilespmem:s30+$0x1DF60] =	vst v11  }
0x136: {  	[tilespmem:s30+$0x1DF70] =	vst v12  }
0x137: {  	[tilespmem:s30+$0x1DF80] =	vst v13  }
0x138: {  	s0 =	sadd.s32 s29, s10;
	s15 =	simm.s32 $0x0;
	[tilespmem:s30+$0x1DF90] =	vst v15  }
0x139: {  	[hbm4b:s0+s15] =	stream.linear.scatter [tilespmem:s19], [sflag:$0x4], $0x1000, $0x38;
	[tilespmem:$0x1FEA0] =	vst v63  }
0x13a: {  	_ =	swait.ge [sflag:s23], $0x1000  }
0x13b: {  	[sflag:s23] =	ssyncset.done $0x0  }
0x13c: {  	s30 =	simm.s32 $0x0;
	[sflag:s23] =	ssyncadd.s32 $0xFFFFF000  }
0x13d: {  	v14 =	vld [tilespmem:s30+$0x1CEA0]  }
0x13e: {  	v0 =	vld [tilespmem:s30+$0x1CEB0]  }
0x13f: {  	v1 =	vld [tilespmem:s30+$0x1CEC0]  }
0x140: {  	v2 =	vld [tilespmem:s30+$0x1CED0]  }
0x141: {  	v3 =	vld [tilespmem:s30+$0x1CEE0]  }
0x142: {  	v4 =	vld [tilespmem:s30+$0x1CEF0]  }
0x143: {  	v5 =	vld [tilespmem:s30+$0x1CF00]  }
0x144: {  	v7 =	vld [tilespmem:s30+$0x1CF10]  }
0x145: {  	v9 =	vld [tilespmem:s30+$0x1CF20]  }
0x146: {  	v6 =	vld [tilespmem:s30+$0x1CF30]  }
0x147: {  	v8 =	vld [tilespmem:s30+$0x1CF40]  }
0x148: {  	v10 =	vld [tilespmem:s30+$0x1CF50]  }
0x149: {  	v11 =	vld [tilespmem:s30+$0x1CF60]  }
0x14a: {  	v12 =	vld [tilespmem:s30+$0x1CF70]  }
0x14b: {  	v13 =	vld [tilespmem:s30+$0x1CF80]  }
0x14c: {  	v15 =	vld [tilespmem:s30+$0x1CF90]  }
0x14d: {  	s31 =	simm.s32 $0x400;
	v14 =	vld.idx.msk [tilespmem:v14+s18+$0x0], $0xffff  }
.LBB2_11:
0x14e: {  	p3 =	sne.s32 s31, $0x3C00;
	v16 =	vld.idx.msk [tilespmem:v0+s18+$0x0], $0xffff  }
0x14f: {  	v17 =	vld.idx.msk [tilespmem:v1+s18+$0x0], $0xffff  }
0x150: {  	v18 =	vld.idx.msk [tilespmem:v2+s18+$0x0], $0xffff  }
0x151: {  	v19 =	vld.idx.msk [tilespmem:v3+s18+$0x0], $0xffff  }
0x152: {  	v20 =	vld.idx.msk [tilespmem:v4+s18+$0x0], $0xffff  }
0x153: {  	v21 =	vld.idx.msk [tilespmem:v5+s18+$0x0], $0xffff  }
0x154: {  	v22 =	vld.idx.msk [tilespmem:v7+s18+$0x0], $0xffff  }
0x155: {  	v23 =	vld.idx.msk [tilespmem:v9+s18+$0x0], $0xffff  }
0x156: {  	v0 =	vld.idx.msk [tilespmem:v15+s18+$0x0], $0xffff  }
0x157: {  	v15 =	vld.idx.msk [tilespmem:v6+s18+$0x0], $0xffff  }
0x158: {  	v24 =	vld.idx.msk [tilespmem:v8+s18+$0x0], $0xffff  }
0x159: {  	v25 =	vld.idx.msk [tilespmem:v10+s18+$0x0], $0xffff  }
0x15a: {  	v26 =	vld.idx.msk [tilespmem:v11+s18+$0x0], $0xffff  }
0x15b: {  	v27 =	vld.idx.msk [tilespmem:v12+s18+$0x0], $0xffff  }
0x15c: {  	s0 =	sshra.s32 s31, $0x2;
	v28 =	vld.idx.msk [tilespmem:v13+s18+$0x0], $0xffff;
	[tilespmem:s30+$0x1EF90] =	vst v0  }
0x15d: {  	v29 =	vld [tilespmem:s0+$0x1CEA0];
	[tilespmem:s30+$0x1EEA0] =	vst v14  }
0x15e: {  	v0 =	vld [tilespmem:s0+$0x1CEB0];
	[tilespmem:s30+$0x1EEB0] =	vst v16  }
0x15f: {  	v1 =	vld [tilespmem:s0+$0x1CEC0];
	[tilespmem:s30+$0x1EEC0] =	vst v17  }
0x160: {  	v2 =	vld [tilespmem:s0+$0x1CED0];
	[tilespmem:s30+$0x1EED0] =	vst v18  }
0x161: {  	v3 =	vld [tilespmem:s0+$0x1CEE0];
	[tilespmem:s30+$0x1EEE0] =	vst v19  }
0x162: {  	v4 =	vld [tilespmem:s0+$0x1CEF0];
	[tilespmem:s30+$0x1EEF0] =	vst v20  }
0x163: {  	v5 =	vld [tilespmem:s0+$0x1CF00];
	[tilespmem:s30+$0x1EF00] =	vst v21  }
0x164: {  	v7 =	vld [tilespmem:s0+$0x1CF10];
	[tilespmem:s30+$0x1EF10] =	vst v22  }
0x165: {  	v9 =	vld [tilespmem:s0+$0x1CF20];
	[tilespmem:s30+$0x1EF20] =	vst v23  }
0x166: {  	v6 =	vld [tilespmem:s0+$0x1CF30];
	[tilespmem:s30+$0x1EF30] =	vst v15  }
0x167: {  	v8 =	vld [tilespmem:s0+$0x1CF40];
	[tilespmem:s30+$0x1EF40] =	vst v24  }
0x168: {  	v10 =	vld [tilespmem:s0+$0x1CF50];
	[tilespmem:s30+$0x1EF50] =	vst v25  }
.Ltmp3:
0x169: {  	v11 =	vld [tilespmem:s0+$0x1CF60];
	[tilespmem:s30+$0x1EF60] =	vst v26;
	(pc) =	sbr.rel @p3 .LBB2_11-.Ltmp3, $4  }
0x16a: {  	v12 =	vld [tilespmem:s0+$0x1CF70];
	[tilespmem:s30+$0x1EF70] =	vst v27  }
0x16b: {  	v13 =	vld [tilespmem:s0+$0x1CF80];
	[tilespmem:s30+$0x1EF80] =	vst v28;
	s30 =	smov.u32 s0  }
0x16c: {  	v15 =	vld [tilespmem:s30+$0x1CF90]  }
0x16d: {  	s31 =	sadd.s32 $0x400, s31;
	v14 =	vld.idx.msk [tilespmem:v29+s18+$0x0], $0xffff  }
0x16e: {  	_ =	sdelay $0x3  }
0x16f: {  	v0 =	vld.idx.msk [tilespmem:v0+s18+$0x0], $0xffff  }
0x170: {  	v1 =	vld.idx.msk [tilespmem:v1+s18+$0x0], $0xffff  }
0x171: {  	v2 =	vld.idx.msk [tilespmem:v2+s18+$0x0], $0xffff  }
0x172: {  	v3 =	vld.idx.msk [tilespmem:v3+s18+$0x0], $0xffff  }
0x173: {  	v4 =	vld.idx.msk [tilespmem:v4+s18+$0x0], $0xffff  }
0x174: {  	v5 =	vld.idx.msk [tilespmem:v5+s18+$0x0], $0xffff  }
0x175: {  	v7 =	vld.idx.msk [tilespmem:v7+s18+$0x0], $0xffff  }
0x176: {  	v9 =	vld.idx.msk [tilespmem:v9+s18+$0x0], $0xffff  }
0x177: {  	v6 =	vld.idx.msk [tilespmem:v6+s18+$0x0], $0xffff  }
0x178: {  	v8 =	vld.idx.msk [tilespmem:v8+s18+$0x0], $0xffff  }
0x179: {  	v10 =	vld.idx.msk [tilespmem:v10+s18+$0x0], $0xffff  }
0x17a: {  	v11 =	vld.idx.msk [tilespmem:v11+s18+$0x0], $0xffff  }
0x17b: {  	v12 =	vld.idx.msk [tilespmem:v12+s18+$0x0], $0xffff  }
0x17c: {  	v13 =	vld.idx.msk [tilespmem:v13+s18+$0x0], $0xffff  }
0x17d: {  	v15 =	vld.idx.msk [tilespmem:v15+s18+$0x0], $0xffff;
	[tilespmem:s30+$0x1EEA0] =	vst v14  }
0x17e: {  	[tilespmem:s30+$0x1EEB0] =	vst v0  }
0x17f: {  	[tilespmem:s30+$0x1EEC0] =	vst v1  }
0x180: {  	s0 =	sadd.s32 @!p2 $0x6, s28;
	[tilespmem:s30+$0x1EED0] =	vst v2  }
0x181: {  	s15 =	sshrl.u32 @!p2 s0, $0x3;
	[tilespmem:s30+$0x1EEE0] =	vst v3  }
0x182: {  	s28 =	smul.u32 @!p2 $0xAB, s15;
	[tilespmem:s30+$0x1EEF0] =	vst v4  }
0x183: {  	[tilespmem:s30+$0x1EF00] =	vst v5  }
0x184: {  	s28 =	sshrl.u32 @!p2 s28, $0x9;
	[tilespmem:s30+$0x1EF10] =	vst v7  }
0x185: {  	s28 =	sand.u32 @!p2 $0x7F, s28;
	[tilespmem:s30+$0x1EF20] =	vst v9  }
0x186: {  	[tilespmem:s30+$0x1EF30] =	vst v6;
	s28 =	smul.u32 @!p2 $0x3, s28  }
0x187: {  	[tilespmem:s30+$0x1EF40] =	vst v8  }
0x188: {  	[tilespmem:s30+$0x1EF50] =	vst v10;
	s15 =	ssub.s32 @!p2 s15, s28  }
0x189: {  	[tilespmem:s30+$0x1EF60] =	vst v11;
	s15 =	sand.u32 @!p2 $0xFF, s15  }
0x18a: {  	s0 =	sshll.u32 @!p2 s0, $0xC;
	[tilespmem:s30+$0x1EF70] =	vst v12;
	s15 =	sshll.u32 @!p2 s15, $0xF  }
.Ltmp4:
0x18b: {  	s0 =	sand.u32 @!p2 $0x6000, s0;
	[tilespmem:s30+$0x1EF80] =	vst v13;
	s15 =	sadd.s32 @!p2 s15, s1;
	(pc) =	sbr.rel @p1 .LBB2_4-.Ltmp4, $4  }
0x18c: {  	[tilespmem:s30+$0x1EF90] =	vst v15;
	s0 =	sadd.s32 @!p2 s0, s15;
	s15 =	simm.s32 @!p2 $0x1BEA0  }
0x18d: {  	[tilespmem:s15], [sflag:$0x3] =	stream.linear.gather @!p2 [spmem:s0], $0x2000, $0x38;
	[tilespmem:$0x1FEA0] =	vst v63  }
0x18e: {  	s31 =	sadd.s32 s29, s11;
	p3 =	por $0x0, $0x0;
	s28 =	simm.s32 $0x4  }
0x18f: {  	[hbm4b:s31+s2] =	stream.linear.scatter [tilespmem:s20], [sflag:$0x5], $0x1000, $0x38;
	[tilespmem:$0x1FEA0] =	vst v63  }
0x190: {  	p1 =	seq.s32 s25, $0x19  }
.Ltmp5:
0x191: {  	_ = 	snop;
	(pc) =	sbr.rel @!p1 .LBB2_3-.Ltmp5, $1  }
0x192: {  	_ =	sdelay $0x3  }
0x193: {  	s24 =	sadd.s32 $0x1, s24  }
0x194: {  	_ =	swait.ge [sflag:s21], $0x1000;
	p1 =	sne.s32 s24, s12  }
.Ltmp6:
0x195: {  	[sflag:s21] =	ssyncset.done $0x0;
	(pc) =	sbr.rel @p1 .LBB2_1-.Ltmp6, $4  }
0x196: {  	[sflag:s21] =	ssyncadd.s32 $0xFFFFF000  }
0x197: {  	_ =	swait.ge [sflag:s23], $0x1000  }
0x198: {  	[sflag:s23] =	ssyncset.done $0x0  }
0x199: {  	[sflag:s23] =	ssyncadd.s32 $0xFFFFF000  }
0x19a: {  	_ =	sfence.sel $0x180000  }
0x19b: {  	[bflag:$0x0] =	sbarrier.arrive $0xFFFF  }
0x19c: {  	_ =	strace $0x90000047  }
0x19d: {  	[bflag:$0x2] =	sbarrier.arrive $0xFFFF  }
0x19e: {  	s0 =	rddreg [dreg:$0x3]  }
0x19f: {  	s0 =	sadd.s32 @!p0 $0x100000, s0  }
0x1a0: {  	[sflag:s0] =	ssyncadd.tile.s32 @!p0 $0x1;
	_ =	shalt  }
.Lfunc_end2:
_tile_overlayer_lowered:
.L_overlay_start_2:
0x1a1: {  	(tag) =	ssettag $0x2  }
0x1a2: {  	s0 =	rddreg [dreg:$0x0];
	s2 =	stileid.u32  }
0x1a3: {  	s1 =	rddreg [dreg:$0x1];
	p0 =	sne.s32 s2, $0x0  }
0x1a4: {  	s3 =	rddreg [dreg:$0x2];
	[bflag:$0x3] =	sbarrier.arrive $0xFFFF;
	s2 =	simm.s32 @!p0 $0x1C06  }
0x1a5: {  	[timem:s3], [sflag:s2] =	dma.local @!p0 [hbm:s0], s1  }
0x1a6: {  	s0 =	simm.s32 @!p0 $0x6  }
0x1a7: {  	_ =	swait.ge @!p0 [sflag:s0], s1  }
0x1a8: {  	s1 =	ssub.s32 @!p0 $0x0, s1;
	[sflag:s0] =	ssyncset.done @!p0 $0x0  }
0x1a9: {  	[sflag:s0] =	ssyncadd.s32 @!p0 s1  }
0x1aa: {  	[bflag:$0x3] =	sbarrier.arrive $0xFFFF  }
0x1ab: {  	_ =	shalt  }

</sc_bundles>
